<compile_context>
chip_gen: v7x
topology: tpu7x:2x2x1
jax: 0.10.2.dev20260603
libtpu: 0.0.44.dev20260713+nightly
codegen_flags: <defaults>
</compile_context>

<pallas_src>
import functools

import jax
import jax.numpy as jnp
from jax import lax
from jax.experimental import pallas as pl
from jax.experimental.pallas import tpu as pltpu
from jax.experimental.pallas import tpu_sc as plsc

H = 128
NC = 2
NS = 16
NW = NC * NS
CK = 128
BIGIDX = 1 << 30


def _mesh():
  return plsc.VectorSubcoreMesh(
      core_axis_name="c", subcore_axis_name="s", num_cores=NC,
      num_subcores=NS)


NR = 30720


N0P = 10240
N1P = 20480


@functools.partial(jax.jit, static_argnums=(2,))
def _sc_gather(x01, idx_all, e0):
  et = idx_all.shape[0]
  nch = et // NW // CK
  assert nch % 4 == 0

  @functools.partial(
      pl.kernel,
      mesh=_mesh(),
      out_type=jax.ShapeDtypeStruct((et, H), jnp.float32),
      scratch_types=[
          [pltpu.VMEM((CK,), jnp.int32)] * 4,
          [pltpu.VMEM((CK, H), jnp.float32)] * 4,
          [pltpu.SemaphoreType.DMA] * 12,
      ],
  )
  def k(x01_hbm, idx_hbm, out_hbm, ib, gb, sem):
    c = lax.axis_index("c")
    t = lax.axis_index("s")
    wid = t * NC + c
    ebase = wid * nch * CK

    def i_desc(ci, b):
      return pltpu.make_async_copy(
          idx_hbm.at[pl.ds(ebase + ci * CK, CK)], ib[b], sem[b])

    def g_desc(b):
      return pltpu.make_async_copy(x01_hbm.at[ib[b]], gb[b], sem[4 + b])

    def w_desc(ci, b):
      return pltpu.make_async_copy(
          gb[b], out_hbm.at[pl.ds(ebase + ci * CK, CK)], sem[8 + b])

    for j in range(4):
      i_desc(j, j).start()

    def body(g, _):
      for b in (0, 1, 2, 3):
        ci = 4 * g + b
        pb = (b + 2) % 4
        i_desc(ci, b).wait()

        @pl.when(ci >= 4)
        def _():
          w_desc(ci - 4, b).wait()

        g_desc(b).start()

        @pl.when(ci >= 2)
        def _():
          g_desc(pb).wait()
          w_desc(ci - 2, pb).start()

          @pl.when(ci + 2 < nch)
          def _():
            i_desc(ci + 2, pb).start()
      return ()

    lax.fori_loop(0, nch // 4, body, ())
    for ci in (nch - 2, nch - 1):
      b = ci % 4
      g_desc(b).wait()
      w_desc(ci, b).start()
    for ci in (nch - 4, nch - 3, nch - 2, nch - 1):
      w_desc(ci, ci % 4).wait()

  return k(x01, idx_all)


@functools.partial(jax.jit, static_argnums=(2, 3))
def _sc_scatter(msg, ridx, ep, nrec):
  nh = nrec // NC
  accr = ((nh + 64) + 1023) // 1024 * 1024
  rpt = accr // NS
  nzc = rpt // 64
  nch = ep // NS // CK
  ock = 200
  noc = nh // ock
  nopt = (noc + NS - 1) // NS

  assert nch % 2 == 0

  @functools.partial(
      pl.kernel,
      mesh=_mesh(),
      out_type=jax.ShapeDtypeStruct((nrec, H), jnp.float32),
      scratch_types=[
          pltpu.VMEM((64, H), jnp.float32),
          [pltpu.VMEM((CK,), jnp.int32)] * 4,
          [pltpu.VMEM((CK, H), jnp.float32)] * 2,
          pltpu.VMEM_SHARED((accr, H), jnp.float32),
          [pltpu.SemaphoreType.DMA] * 6,
      ],
  )
  def k(msg_hbm, ridx_hbm, out_hbm, zb_v, ib, mb, acc, sem):
    c = lax.axis_index("c")
    t = lax.axis_index("s")

    def zb(i, _):
      zb_v[i // 8, pl.ds((i % 8) * 16, 16)] = jnp.zeros((16,), jnp.float32)
      return ()
    lax.fori_loop(0, 64 * 8, zb, ())

    zbase = t * rpt
    def zc(i, _):
      pltpu.sync_copy(zb_v, acc.at[pl.ds(zbase + i * 64, 64)])
      return ()
    lax.fori_loop(0, nzc, zc, ())

    lo = c * nh
    ebase = t * nch * CK
    li = [ib[2], ib[3]]

    def i_desc(ci, b):
      return pltpu.make_async_copy(
          ridx_hbm.at[pl.ds(ebase + ci * CK, CK)], ib[b], sem[b])

    def m_desc(ci, b):
      return pltpu.make_async_copy(
          msg_hbm.at[pl.ds(ebase + ci * CK, CK)], mb[b], sem[2 + b])

    def s_desc(b):
      return pltpu.make_async_copy(mb[b], acc.at[li[b]], sem[4 + b])

    i_desc(0, 0).start()
    m_desc(0, 0).start()
    plsc.subcore_barrier()

    def body(g, _):
      for b in (0, 1):
        ci = 2 * g + b
        nb = 1 - b
        i_desc(ci, b).wait()
        m_desc(ci, b).wait()

        def fix(j, _):
          v = ib[b][pl.ds(j * 16, 16)]
          lv = v - lo
          ok = (lv >= 0) & (lv < nh)
          li[b][pl.ds(j * 16, 16)] = jnp.where(ok, lv, nh)
          return ()
        lax.fori_loop(0, CK // 16, fix, ())

        @pl.when(ci >= 1)
        def _():
          s_desc(nb).wait()

        pltpu.async_copy(mb[b], acc.at[li[b]], sem[4 + b], add=True)

        @pl.when(ci + 1 < nch)
        def _():
          i_desc(ci + 1, nb).start()
          m_desc(ci + 1, nb).start()
      return ()

    lax.fori_loop(0, nch // 2, body, ())
    s_desc(1).wait()
    plsc.subcore_barrier()

    def oc(i, _):
      ch = t + i * NS
      @pl.when(ch < noc)
      def _():
        pltpu.sync_copy(acc.at[pl.ds(ch * ock, ock)],
                        out_hbm.at[pl.ds(lo + ch * ock, ock)])
      return ()
    lax.fori_loop(0, nopt, oc, ())

  return k(msg, ridx)


def _edge_body(send_b, rec_b, invt_b, w1s_b, w1r_b, w1i_b, b1_b, w2_b, b2_b,
               ewt_b, eb_b, out_b):
  f32 = jnp.float32
  h = (jnp.dot(send_b[...].astype(jnp.bfloat16), w1s_b[...],
               preferred_element_type=f32)
       + jnp.dot(rec_b[...].astype(jnp.bfloat16), w1r_b[...],
                 preferred_element_type=f32)
       + lax.dot_general(invt_b[...], w1i_b[...],
                         (((0,), (0,)), ((), ())), preferred_element_type=f32)
       + b1_b[...])
  h = h * jax.nn.sigmoid(h)
  m = (jnp.dot(h.astype(jnp.bfloat16), w2_b[...],
               preferred_element_type=f32) + b2_b[...])
  m = m * jax.nn.sigmoid(m)
  wg = jax.nn.sigmoid(jnp.sum(m * ewt_b[...], axis=1, keepdims=True)
                      + eb_b[0])
  out_b[...] = m * wg


BE = 1024


@functools.partial(jax.jit, static_argnums=(10, 11, 12))
def _edge_mlp(gath, invt, w1s, w1r, w1i, b1, w2, b2, ewt, eb, soff, roff,
              ep):
  grid = (ep // BE,)
  wspec = pl.BlockSpec((H, H), lambda i: (0, 0))
  bspec = pl.BlockSpec((1, H), lambda i: (0, 0))
  return pl.pallas_call(
      _edge_body,
      grid=grid,
      in_specs=[
          pl.BlockSpec((BE, H), lambda i: (soff + i, 0)),
          pl.BlockSpec((BE, H), lambda i: (roff + i, 0)),
          pl.BlockSpec((8, BE), lambda i: (0, i)),
          wspec, wspec,
          pl.BlockSpec((8, H), lambda i: (0, 0)),
          bspec, wspec, bspec, bspec,
          pl.BlockSpec(memory_space=pltpu.SMEM),
      ],
      out_specs=pl.BlockSpec((BE, H), lambda i: (i, 0)),
      out_shape=jax.ShapeDtypeStruct((ep, H), jnp.float32),
  )(gath, gath, invt, w1s, w1r, w1i, b1, w2, b2, ewt, eb)


def _node0_body(x_b, m_b, a_b, bq_b, b1_b, w2_b, b2_b, sw_b, sb_b, out_b):
  f32 = jnp.float32
  h = (jnp.dot(x_b[...], a_b[...], preferred_element_type=f32)
       + jnp.dot(m_b[...], bq_b[...], preferred_element_type=f32)
       + b1_b[...])
  h = h * jax.nn.sigmoid(h)
  out_b[...] = (jnp.dot(h, w2_b[...], preferred_element_type=f32) + b2_b[...]
                + jnp.dot(x_b[...], sw_b[...], preferred_element_type=f32)
                + sb_b[...])


def _node1_body(x_b, m1_b, m2_b, a_b, bq_b, c_b, b1_b, w2_b, b2_b, sw_b,
                sb_b, out_b):
  f32 = jnp.float32
  h = (jnp.dot(x_b[...], a_b[...], preferred_element_type=f32)
       + jnp.dot(m1_b[...], bq_b[...], preferred_element_type=f32)
       + jnp.dot(m2_b[...], c_b[...], preferred_element_type=f32)
       + b1_b[...])
  h = h * jax.nn.sigmoid(h)
  out_b[...] = (jnp.dot(h, w2_b[...], preferred_element_type=f32) + b2_b[...]
                + jnp.dot(x_b[...], sw_b[...], preferred_element_type=f32)
                + sb_b[...])


@jax.jit
def _node0(x, m, a, bq, b1, w2, b2, sw, sb):
  n = x.shape[0]
  bn = 1000
  wspec = pl.BlockSpec((H, H), lambda i: (0, 0))
  bspec = pl.BlockSpec((1, H), lambda i: (0, 0))
  nspec = pl.BlockSpec((bn, H), lambda i: (i, 0))
  return pl.pallas_call(
      _node0_body,
      grid=(n // bn,),
      in_specs=[nspec, nspec, wspec, wspec, bspec, wspec, bspec, wspec,
                bspec],
      out_specs=nspec,
      out_shape=jax.ShapeDtypeStruct((n, H), jnp.float32),
  )(x, m, a, bq, b1, w2, b2, sw, sb)


@jax.jit
def _node1(x, m1, m2, a, bq, c, b1, w2, b2, sw, sb):
  n = x.shape[0]
  bn = 1000
  wspec = pl.BlockSpec((H, H), lambda i: (0, 0))
  bspec = pl.BlockSpec((1, H), lambda i: (0, 0))
  nspec = pl.BlockSpec((bn, H), lambda i: (i, 0))
  return pl.pallas_call(
      _node1_body,
      grid=(n // bn,),
      in_specs=[nspec, nspec, nspec, wspec, wspec, wspec, bspec, wspec,
                bspec, wspec, bspec],
      out_specs=nspec,
      out_shape=jax.ShapeDtypeStruct((n, H), jnp.float32),
  )(x, m1, m2, a, bq, c, b1, w2, b2, sw, sb)


def _pad_to(x, n, val):
  e = x.shape[0]
  if e == n:
    return x
  return jnp.concatenate(
      [x, jnp.full((n - e,) + x.shape[1:], val, x.dtype)], axis=0)


def _pad_ep(e):
  return -(-e // (NW * CK * 2)) * (NW * CK * 2)


def kernel(x0, x1, adj_0_0, adj_0_1, adj_1_1, inv_0_0, inv_0_1, inv_1_1,
           mw1_0_0, mb1_0_0, mw2_0_0, mb2_0_0, ew_0_0, eb_0_0,
           mw1_0_1, mb1_0_1, mw2_0_1, mb2_0_1, ew_0_1, eb_0_1,
           mw1_1_1, mb1_1_1, mw2_1_1, mb2_1_1, ew_1_1, eb_1_1,
           u0w1, u0b1, u0w2, u0b2, u1w1, u1b1, u1w2, u1b2, sw, sb):
  n0 = x0.shape[0]
  n1 = x1.shape[0]
  bf16 = jnp.bfloat16
  x01 = jnp.concatenate([_pad_to(x0, N0P, 0.0),
                         _pad_to(x1, N1P, 0.0)], axis=0)

  sets = []
  for adj, inv, w1, soffs, roffs, nrec in (
      (adj_0_0, inv_0_0, mw1_0_0, 0, 0, n0),
      (adj_0_1, inv_0_1, mw1_0_1, 0, N0P, n1),
      (adj_1_1, inv_1_1, mw1_1_1, N0P, N0P, n1)):
    e = adj.shape[1]
    ep = _pad_ep(e)
    ninv = inv.shape[1]
    sidx = _pad_to(adj[0].astype(jnp.int32) + soffs, ep, 0)
    gidx = _pad_to(adj[1].astype(jnp.int32) + roffs, ep, 0)
    ridx = _pad_to(adj[1].astype(jnp.int32), ep, BIGIDX)
    invt = jnp.zeros((8, ep), bf16).at[:ninv, :e].set(inv.T.astype(bf16))
    w1s = w1[:H].astype(bf16)
    w1r = w1[H:2 * H].astype(bf16)
    w1i = jnp.zeros((8, H), bf16).at[:ninv].set(w1[2 * H:].astype(bf16))
    sets.append(dict(ep=ep, sidx=sidx, gidx=gidx, ridx=ridx, invt=invt,
                     w1s=w1s, w1r=w1r, w1i=w1i, nrec=nrec))

  ep00, ep01, ep11 = sets[0]['ep'], sets[1]['ep'], sets[2]['ep']
  idx_all = jnp.concatenate([
      sets[0]['sidx'], sets[0]['gidx'], sets[1]['sidx'],
      sets[1]['gidx'], sets[2]['sidx'], sets[2]['gidx']])
  e0 = 2 * ep00 + ep01
  gath = _sc_gather(x01, idx_all, e0)

  offs = [(0, ep00 // BE),
          (2 * ep00 // BE, e0 // BE),
          ((e0 + ep01) // BE, (e0 + ep01 + ep11) // BE)]
  msgs = []
  for s, (soff, roff), (b1, w2, b2, ew, eb) in zip(sets, offs, (
      (mb1_0_0, mw2_0_0, mb2_0_0, ew_0_0, eb_0_0),
      (mb1_0_1, mw2_0_1, mb2_0_1, ew_0_1, eb_0_1),
      (mb1_1_1, mw2_1_1, mb2_1_1, ew_1_1, eb_1_1))):
    msgs.append(_edge_mlp(gath, s['invt'], s['w1s'], s['w1r'], s['w1i'],
                          b1.reshape(1, H), w2.astype(bf16),
                          b2.reshape(1, H), ew.reshape(1, H), eb, soff,
                          roff, s['ep']))

  m00 = _sc_scatter(msgs[0], sets[0]['ridx'], sets[0]['ep'], n0)
  m01 = _sc_scatter(msgs[1], sets[1]['ridx'], sets[1]['ep'], n1)
  m11 = _sc_scatter(msgs[2], sets[2]['ridx'], sets[2]['ep'], n1)

  out0 = _node0(x0, m00, u0w1[:H], u0w1[H:], u0b1.reshape(1, H), u0w2,
                u0b2.reshape(1, H), sw, sb.reshape(1, H))
  out1 = _node1(x1, m01, m11, u1w1[:H], u1w1[H:2 * H], u1w1[2 * H:],
                u1b1.reshape(1, H), u1w2, u1b2.reshape(1, H), sw,
                sb.reshape(1, H))
  return (out0, out1)

# --- scband reference (transcript-rebuilt; emitter-appended) ---
"""Pipeline reference for scband-empsn-rephine-cont-30863634989085 (READ-ONLY COPY).

The authoritative reference and input builder live on the scoring server;
editing this copy changes nothing except your own understanding.
"""

import jax, jax.numpy as jnp
import numpy as np

N0, N1, H, O = 10000, 20000, 128, 128
E00, E01, E11 = 320000, 40000, 160000

def _silu(x):
    return x * jax.nn.sigmoid(x)

def setup_inputs(seed: int = 0) -> dict:
    key = jax.random.key(seed)
    ks = jax.random.split(key, 40)
    def lin(k, i, o):
        return jax.random.normal(k, (i, o), jnp.float32) / np.sqrt(i)
    inp = {}
    inp['x0'] = jax.random.normal(ks[0], (N0, H), jnp.float32)
    inp['x1'] = jax.random.normal(ks[1], (N1, H), jnp.float32)
    inp['adj_0_0'] = jax.random.randint(ks[2], (2, E00), 0, N0)
    inp['adj_0_1'] = jax.random.randint(ks[3], (2, E01), 0, N0)
    inp['adj_1_1'] = jax.random.randint(ks[4], (2, E11), 0, N1)
    inp['inv_0_0'] = jax.random.uniform(ks[5], (E00, 3), jnp.float32)
    inp['inv_0_1'] = jax.random.uniform(ks[6], (E01, 3), jnp.float32)
    inp['inv_1_1'] = jax.random.uniform(ks[7], (E11, 6), jnp.float32)
    idx = 8
    for adj, ninv in [('0_0', 3), ('0_1', 3), ('1_1', 6)]:
        inp['mw1_' + adj] = lin(ks[idx], 2 * H + ninv, H); idx += 1
        inp['mb1_' + adj] = jnp.zeros((H,), jnp.float32)
        inp['mw2_' + adj] = lin(ks[idx], H, H); idx += 1
        inp['mb2_' + adj] = jnp.zeros((H,), jnp.float32)
        inp['ew_' + adj] = lin(ks[idx], H, 1); idx += 1
        inp['eb_' + adj] = jnp.zeros((1,), jnp.float32)
    inp['u0w1'] = lin(ks[idx], 2 * H, H); idx += 1
    inp['u0b1'] = jnp.zeros((H,), jnp.float32)
    inp['u0w2'] = lin(ks[idx], H, O); idx += 1
    inp['u0b2'] = jnp.zeros((O,), jnp.float32)
    inp['u1w1'] = lin(ks[idx], 3 * H, H); idx += 1
    inp['u1b1'] = jnp.zeros((H,), jnp.float32)
    inp['u1w2'] = lin(ks[idx], H, O); idx += 1
    inp['u1b2'] = jnp.zeros((O,), jnp.float32)
    inp['sw'] = lin(ks[idx], H, O); idx += 1
    inp['sb'] = jnp.zeros((O,), jnp.float32)
    return inp

def reference(x0, x1, adj_0_0, adj_0_1, adj_1_1, inv_0_0, inv_0_1, inv_1_1,
              mw1_0_0, mb1_0_0, mw2_0_0, mb2_0_0, ew_0_0, eb_0_0,
              mw1_0_1, mb1_0_1, mw2_0_1, mb2_0_1, ew_0_1, eb_0_1,
              mw1_1_1, mb1_1_1, mw2_1_1, mb2_1_1, ew_1_1, eb_1_1,
              u0w1, u0b1, u0w2, u0b2, u1w1, u1b1, u1w2, u1b2, sw, sb):
    def message(xs, xr, idx, inv, w1, b1, w2, b2, ew, eb, nrec):
        send = jnp.take(xs, idx[0], axis=0)
        rec = jnp.take(xr, idx[1], axis=0)
        state = jnp.concatenate([send, rec, inv], axis=1)
        m = _silu(state @ w1 + b1)
        m = _silu(m @ w2 + b2)
        wgt = jax.nn.sigmoid(m @ ew + eb)
        return jax.ops.segment_sum(m * wgt, idx[1], num_segments=nrec)
    m00 = message(x0, x0, adj_0_0, inv_0_0, mw1_0_0, mb1_0_0, mw2_0_0, mb2_0_0, ew_0_0, eb_0_0, x0.shape[0])
    m01 = message(x0, x1, adj_0_1, inv_0_1, mw1_0_1, mb1_0_1, mw2_0_1, mb2_0_1, ew_0_1, eb_0_1, x1.shape[0])
    m11 = message(x1, x1, adj_1_1, inv_1_1, mw1_1_1, mb1_1_1, mw2_1_1, mb2_1_1, ew_1_1, eb_1_1, x1.shape[0])
    h0 = jnp.concatenate([x0, m00], axis=1)
    h1 = jnp.concatenate([x1, m01, m11], axis=1)
    h0 = _silu(h0 @ u0w1 + u0b1) @ u0w2 + u0b2
    h1 = _silu(h1 @ u1w1 + u1b1) @ u1w2 + u1b2
    out0 = x0 @ sw + sb + h0
    out1 = x1 @ sw + sb + h1
    return (out0, out1)

if __name__ == "__main__":
    import jax
    _d = setup_inputs()
    print(jax.jit(kernel)(*tuple(_d.values())))

</pallas_src>

<mosaic_0001>
#map = affine_map<(d0, d1) -> (0, 0)>
#map1 = affine_map<(d0, d1) -> (0)>
module attributes {stable_mosaic.version = 14 : i64} {
  func.func @k(%arg0: i32, %arg1: i32, %arg2: memref<30720x128xf32, #tpu.memory_space<hbm>>, %arg3: memref<1064960xi32, #tpu.memory_space<hbm>>, %arg4: memref<1064960x128xf32, #tpu.memory_space<hbm>>, %arg5: memref<128xi32, #tpu.memory_space<vmem>>, %arg6: memref<128xi32, #tpu.memory_space<vmem>>, %arg7: memref<128xi32, #tpu.memory_space<vmem>>, %arg8: memref<128xi32, #tpu.memory_space<vmem>>, %arg9: memref<128x128xf32, #tpu.memory_space<vmem>>, %arg10: memref<128x128xf32, #tpu.memory_space<vmem>>, %arg11: memref<128x128xf32, #tpu.memory_space<vmem>>, %arg12: memref<128x128xf32, #tpu.memory_space<vmem>>, %arg13: memref<!tpu.dma_semaphore, #tpu.memory_space<semaphore_mem>>, %arg14: memref<!tpu.dma_semaphore, #tpu.memory_space<semaphore_mem>>, %arg15: memref<!tpu.dma_semaphore, #tpu.memory_space<semaphore_mem>>, %arg16: memref<!tpu.dma_semaphore, #tpu.memory_space<semaphore_mem>>, %arg17: memref<!tpu.dma_semaphore, #tpu.memory_space<semaphore_mem>>, %arg18: memref<!tpu.dma_semaphore, #tpu.memory_space<semaphore_mem>>, %arg19: memref<!tpu.dma_semaphore, #tpu.memory_space<semaphore_mem>>, %arg20: memref<!tpu.dma_semaphore, #tpu.memory_space<semaphore_mem>>, %arg21: memref<!tpu.dma_semaphore, #tpu.memory_space<semaphore_mem>>, %arg22: memref<!tpu.dma_semaphore, #tpu.memory_space<semaphore_mem>>, %arg23: memref<!tpu.dma_semaphore, #tpu.memory_space<semaphore_mem>>, %arg24: memref<!tpu.dma_semaphore, #tpu.memory_space<semaphore_mem>>) attributes {dimension_semantics = [#tpu.dimension_semantics<core_parallel>, #tpu.dimension_semantics<subcore_parallel>], iteration_bounds = array<i64: 2, 16>, scalar_prefetch = 0 : i64, scratch_operands = 20 : i64, tpu.core_type = #tpu.core_type<sc_vector_subcore>, window_params = [{transform_indices = #map}, {transform_indices = #map1}, {transform_indices = #map}]} {
    %mul3A = arith.constant 2 : i32
    %mul3A_0 = arith.muli %arg1, %mul3A : i32
    %add3A = arith.addi %mul3A_0, %arg0 : i32
    %mul3A_1 = arith.constant 260 : i32
    %mul3A_2 = arith.muli %add3A, %mul3A_1 : i32
    %mul3A_3 = arith.constant 128 : i32
    %mul3A_4 = arith.muli %mul3A_2, %mul3A_3 : i32
    %add3A_5 = arith.constant 0 : i32
    %add3A_6 = arith.addi %mul3A_4, %add3A_5 : i32
    %dma_start3A = tpu.memref_slice %arg3[%add3A_6] : memref<1064960xi32, #tpu.memory_space<hbm>> -> memref<128xi32, #tpu.memory_space<hbm>>
    %dma_start3A_7 = tpu.memref_slice %arg3[%add3A_6] : memref<1064960xi32, #tpu.memory_space<hbm>> -> memref<128xi32, #tpu.memory_space<hbm>>
    tpu.enqueue_dma source(%dma_start3A_7 : memref<128xi32, #tpu.memory_space<hbm>>) target(%arg5 : memref<128xi32, #tpu.memory_space<vmem>>) target_semaphore(%arg13 : memref<!tpu.dma_semaphore, #tpu.memory_space<semaphore_mem>>)
    %add3A_8 = arith.constant 128 : i32
    %add3A_9 = arith.addi %mul3A_4, %add3A_8 : i32
    %dma_start3A_10 = tpu.memref_slice %arg3[%add3A_9] : memref<1064960xi32, #tpu.memory_space<hbm>> -> memref<128xi32, #tpu.memory_space<hbm>>
    %dma_start3A_11 = tpu.memref_slice %arg3[%add3A_9] : memref<1064960xi32, #tpu.memory_space<hbm>> -> memref<128xi32, #tpu.memory_space<hbm>>
    tpu.enqueue_dma source(%dma_start3A_11 : memref<128xi32, #tpu.memory_space<hbm>>) target(%arg6 : memref<128xi32, #tpu.memory_space<vmem>>) target_semaphore(%arg14 : memref<!tpu.dma_semaphore, #tpu.memory_space<semaphore_mem>>)
    %add3A_12 = arith.constant 256 : i32
    %add3A_13 = arith.addi %mul3A_4, %add3A_12 : i32
    %dma_start3A_14 = tpu.memref_slice %arg3[%add3A_13] : memref<1064960xi32, #tpu.memory_space<hbm>> -> memref<128xi32, #tpu.memory_space<hbm>>
    %dma_start3A_15 = tpu.memref_slice %arg3[%add3A_13] : memref<1064960xi32, #tpu.memory_space<hbm>> -> memref<128xi32, #tpu.memory_space<hbm>>
    tpu.enqueue_dma source(%dma_start3A_15 : memref<128xi32, #tpu.memory_space<hbm>>) target(%arg7 : memref<128xi32, #tpu.memory_space<vmem>>) target_semaphore(%arg15 : memref<!tpu.dma_semaphore, #tpu.memory_space<semaphore_mem>>)
    %add3A_16 = arith.constant 384 : i32
    %add3A_17 = arith.addi %mul3A_4, %add3A_16 : i32
    %dma_start3A_18 = tpu.memref_slice %arg3[%add3A_17] : memref<1064960xi32, #tpu.memory_space<hbm>> -> memref<128xi32, #tpu.memory_space<hbm>>
    %dma_start3A_19 = tpu.memref_slice %arg3[%add3A_17] : memref<1064960xi32, #tpu.memory_space<hbm>> -> memref<128xi32, #tpu.memory_space<hbm>>
    tpu.enqueue_dma source(%dma_start3A_19 : memref<128xi32, #tpu.memory_space<hbm>>) target(%arg8 : memref<128xi32, #tpu.memory_space<vmem>>) target_semaphore(%arg16 : memref<!tpu.dma_semaphore, #tpu.memory_space<semaphore_mem>>)
    %scan3A = arith.constant 0 : i32
    %scan3A_20 = arith.constant 65 : i32
    %scan3A_21 = arith.addi %scan3A, %scan3A_20 : i32
    %scan3A_22 = arith.constant 1 : i32
    scf.for %scan3A_65 = %scan3A to %scan3A_21 step %scan3A_22  : i32 {
      %mul3A_66 = arith.constant 4 : i32
      %mul3A_67 = arith.muli %mul3A_66, %scan3A_65 : i32
      %add3A_68 = arith.constant 0 : i32
      %add3A_69 = arith.addi %mul3A_67, %add3A_68 : i32
      %mul3A_70 = arith.constant 128 : i32
      %mul3A_71 = arith.muli %add3A_69, %mul3A_70 : i32
      %add3A_72 = arith.addi %mul3A_4, %mul3A_71 : i32
      %dma_wait3A_73 = tpu.memref_slice %arg3[%add3A_72] : memref<1064960xi32, #tpu.memory_space<hbm>> -> memref<128xi32, #tpu.memory_space<hbm>>
      %dma_wait3A_74 = tpu.memref_slice %arg3[%add3A_72] : memref<1064960xi32, #tpu.memory_space<hbm>> -> memref<128xi32, #tpu.memory_space<hbm>>
      tpu.wait_dma2 semaphore(%arg13 : memref<!tpu.dma_semaphore, #tpu.memory_space<semaphore_mem>>) src(%dma_wait3A_74 : memref<128xi32, #tpu.memory_space<hbm>>) dst(%arg5 : memref<128xi32, #tpu.memory_space<vmem>>)
      %ge3A = arith.constant 4 : i32
      %ge3A_75 = arith.cmpi sge, %add3A_69, %ge3A : i32
      %convert_element_type3A = arith.extui %ge3A_75 : i1 to i32
      %cond3A = arith.constant 0 : i32
      %cond3A_76 = arith.cmpi ne, %convert_element_type3A, %cond3A : i32
      scf.if %cond3A_76 {
        %sub3A = arith.constant 4 : i32
        %sub3A_151 = arith.subi %add3A_69, %sub3A : i32
        %mul3A_152 = arith.constant 128 : i32
        %mul3A_153 = arith.muli %sub3A_151, %mul3A_152 : i32
        %add3A_154 = arith.addi %mul3A_4, %mul3A_153 : i32
        %dma_wait3A_155 = arith.constant 0 : i32
        %dma_wait3A_156 = tpu.memref_slice %arg4[%add3A_154, %dma_wait3A_155] : memref<1064960x128xf32, #tpu.memory_space<hbm>> -> memref<128x128xf32, #tpu.memory_space<hbm>>
        %dma_wait3A_157 = arith.constant 0 : i32
        %dma_wait3A_158 = tpu.memref_slice %arg4[%add3A_154, %dma_wait3A_157] : memref<1064960x128xf32, #tpu.memory_space<hbm>> -> memref<128x128xf32, #tpu.memory_space<hbm>>
        tpu.wait_dma2 semaphore(%arg21 : memref<!tpu.dma_semaphore, #tpu.memory_space<semaphore_mem>>) src(%arg9 : memref<128x128xf32, #tpu.memory_space<vmem>>) dst(%dma_wait3A_158 : memref<128x128xf32, #tpu.memory_space<hbm>>)
      } else {
      }
      %dma_start3A_77 = arith.constant 0 : i32
      %dma_start3A_78 = arith.constant 0 : i32
      %dma_start3A_79 = tpu.memref_slice %arg2[%dma_start3A_77, %dma_start3A_78] : memref<30720x128xf32, #tpu.memory_space<hbm>> -> memref<30720x128xf32, #tpu.memory_space<hbm>>
      tpu.enqueue_indirect_dma source(%dma_start3A_79 : memref<30720x128xf32, #tpu.memory_space<hbm>>) target(%arg9 : memref<128x128xf32, #tpu.memory_space<vmem>>) offsets(%arg5 : memref<128xi32, #tpu.memory_space<vmem>>) semaphore(%arg17 : memref<!tpu.dma_semaphore, #tpu.memory_space<semaphore_mem>>)
      %ge3A_80 = arith.constant 2 : i32
      %ge3A_81 = arith.cmpi sge, %add3A_69, %ge3A_80 : i32
      %convert_element_type3A_82 = arith.extui %ge3A_81 : i1 to i32
      %cond3A_83 = arith.constant 0 : i32
      %cond3A_84 = arith.cmpi ne, %convert_element_type3A_82, %cond3A_83 : i32
      scf.if %cond3A_84 {
        %dma_wait3A_151 = arith.constant 0 : i32
        %dma_wait3A_152 = arith.constant 0 : i32
        %dma_wait3A_153 = tpu.memref_slice %arg2[%dma_wait3A_151, %dma_wait3A_152] : memref<30720x128xf32, #tpu.memory_space<hbm>> -> memref<30720x128xf32, #tpu.memory_space<hbm>>
        tpu.wait_indirect_dma semaphore(%arg19 : memref<!tpu.dma_semaphore, #tpu.memory_space<semaphore_mem>>) src(%dma_wait3A_153 : memref<30720x128xf32, #tpu.memory_space<hbm>>) dst(%arg11 : memref<128x128xf32, #tpu.memory_space<vmem>>)
        %sub3A = arith.constant 2 : i32
        %sub3A_154 = arith.subi %add3A_69, %sub3A : i32
        %mul3A_155 = arith.constant 128 : i32
        %mul3A_156 = arith.muli %sub3A_154, %mul3A_155 : i32
        %add3A_157 = arith.addi %mul3A_4, %mul3A_156 : i32
        %dma_start3A_158 = arith.constant 0 : i32
        %dma_start3A_159 = tpu.memref_slice %arg4[%add3A_157, %dma_start3A_158] : memref<1064960x128xf32, #tpu.memory_space<hbm>> -> memref<128x128xf32, #tpu.memory_space<hbm>>
        %dma_start3A_160 = arith.constant 0 : i32
        %dma_start3A_161 = tpu.memref_slice %arg4[%add3A_157, %dma_start3A_160] : memref<1064960x128xf32, #tpu.memory_space<hbm>> -> memref<128x128xf32, #tpu.memory_space<hbm>>
        tpu.enqueue_dma source(%arg11 : memref<128x128xf32, #tpu.memory_space<vmem>>) target(%dma_start3A_161 : memref<128x128xf32, #tpu.memory_space<hbm>>) target_semaphore(%arg23 : memref<!tpu.dma_semaphore, #tpu.memory_space<semaphore_mem>>)
        %add3A_162 = arith.constant 2 : i32
        %add3A_163 = arith.addi %add3A_69, %add3A_162 : i32
        %lt3A = arith.constant 260 : i32
        %lt3A_164 = arith.cmpi slt, %add3A_163, %lt3A : i32
        %convert_element_type3A_165 = arith.extui %lt3A_164 : i1 to i32
        %cond3A_166 = arith.constant 0 : i32
        %cond3A_167 = arith.cmpi ne, %convert_element_type3A_165, %cond3A_166 : i32
        scf.if %cond3A_167 {
          %add3A_168 = arith.constant 2 : i32
          %add3A_169 = arith.addi %add3A_69, %add3A_168 : i32
          %mul3A_170 = arith.constant 128 : i32
          %mul3A_171 = arith.muli %add3A_169, %mul3A_170 : i32
          %add3A_172 = arith.addi %mul3A_4, %mul3A_171 : i32
          %dma_start3A_173 = tpu.memref_slice %arg3[%add3A_172] : memref<1064960xi32, #tpu.memory_space<hbm>> -> memref<128xi32, #tpu.memory_space<hbm>>
          %dma_start3A_174 = tpu.memref_slice %arg3[%add3A_172] : memref<1064960xi32, #tpu.memory_space<hbm>> -> memref<128xi32, #tpu.memory_space<hbm>>
          tpu.enqueue_dma source(%dma_start3A_174 : memref<128xi32, #tpu.memory_space<hbm>>) target(%arg7 : memref<128xi32, #tpu.memory_space<vmem>>) target_semaphore(%arg15 : memref<!tpu.dma_semaphore, #tpu.memory_space<semaphore_mem>>)
        } else {
        }
      } else {
      }
      %mul3A_85 = arith.constant 4 : i32
      %mul3A_86 = arith.muli %mul3A_85, %scan3A_65 : i32
      %add3A_87 = arith.constant 1 : i32
      %add3A_88 = arith.addi %mul3A_86, %add3A_87 : i32
      %mul3A_89 = arith.constant 128 : i32
      %mul3A_90 = arith.muli %add3A_88, %mul3A_89 : i32
      %add3A_91 = arith.addi %mul3A_4, %mul3A_90 : i32
      %dma_wait3A_92 = tpu.memref_slice %arg3[%add3A_91] : memref<1064960xi32, #tpu.memory_space<hbm>> -> memref<128xi32, #tpu.memory_space<hbm>>
      %dma_wait3A_93 = tpu.memref_slice %arg3[%add3A_91] : memref<1064960xi32, #tpu.memory_space<hbm>> -> memref<128xi32, #tpu.memory_space<hbm>>
      tpu.wait_dma2 semaphore(%arg14 : memref<!tpu.dma_semaphore, #tpu.memory_space<semaphore_mem>>) src(%dma_wait3A_93 : memref<128xi32, #tpu.memory_space<hbm>>) dst(%arg6 : memref<128xi32, #tpu.memory_space<vmem>>)
      %ge3A_94 = arith.constant 4 : i32
      %ge3A_95 = arith.cmpi sge, %add3A_88, %ge3A_94 : i32
      %convert_element_type3A_96 = arith.extui %ge3A_95 : i1 to i32
      %cond3A_97 = arith.constant 0 : i32
      %cond3A_98 = arith.cmpi ne, %convert_element_type3A_96, %cond3A_97 : i32
      scf.if %cond3A_98 {
        %sub3A = arith.constant 4 : i32
        %sub3A_151 = arith.subi %add3A_88, %sub3A : i32
        %mul3A_152 = arith.constant 128 : i32
        %mul3A_153 = arith.muli %sub3A_151, %mul3A_152 : i32
        %add3A_154 = arith.addi %mul3A_4, %mul3A_153 : i32
        %dma_wait3A_155 = arith.constant 0 : i32
        %dma_wait3A_156 = tpu.memref_slice %arg4[%add3A_154, %dma_wait3A_155] : memref<1064960x128xf32, #tpu.memory_space<hbm>> -> memref<128x128xf32, #tpu.memory_space<hbm>>
        %dma_wait3A_157 = arith.constant 0 : i32
        %dma_wait3A_158 = tpu.memref_slice %arg4[%add3A_154, %dma_wait3A_157] : memref<1064960x128xf32, #tpu.memory_space<hbm>> -> memref<128x128xf32, #tpu.memory_space<hbm>>
        tpu.wait_dma2 semaphore(%arg22 : memref<!tpu.dma_semaphore, #tpu.memory_space<semaphore_mem>>) src(%arg10 : memref<128x128xf32, #tpu.memory_space<vmem>>) dst(%dma_wait3A_158 : memref<128x128xf32, #tpu.memory_space<hbm>>)
      } else {
      }
      %dma_start3A_99 = arith.constant 0 : i32
      %dma_start3A_100 = arith.constant 0 : i32
      %dma_start3A_101 = tpu.memref_slice %arg2[%dma_start3A_99, %dma_start3A_100] : memref<30720x128xf32, #tpu.memory_space<hbm>> -> memref<30720x128xf32, #tpu.memory_space<hbm>>
      tpu.enqueue_indirect_dma source(%dma_start3A_101 : memref<30720x128xf32, #tpu.memory_space<hbm>>) target(%arg10 : memref<128x128xf32, #tpu.memory_space<vmem>>) offsets(%arg6 : memref<128xi32, #tpu.memory_space<vmem>>) semaphore(%arg18 : memref<!tpu.dma_semaphore, #tpu.memory_space<semaphore_mem>>)
      %ge3A_102 = arith.constant 2 : i32
      %ge3A_103 = arith.cmpi sge, %add3A_88, %ge3A_102 : i32
      %convert_element_type3A_104 = arith.extui %ge3A_103 : i1 to i32
      %cond3A_105 = arith.constant 0 : i32
      %cond3A_106 = arith.cmpi ne, %convert_element_type3A_104, %cond3A_105 : i32
      scf.if %cond3A_106 {
        %dma_wait3A_151 = arith.constant 0 : i32
        %dma_wait3A_152 = arith.constant 0 : i32
        %dma_wait3A_153 = tpu.memref_slice %arg2[%dma_wait3A_151, %dma_wait3A_152] : memref<30720x128xf32, #tpu.memory_space<hbm>> -> memref<30720x128xf32, #tpu.memory_space<hbm>>
        tpu.wait_indirect_dma semaphore(%arg20 : memref<!tpu.dma_semaphore, #tpu.memory_space<semaphore_mem>>) src(%dma_wait3A_153 : memref<30720x128xf32, #tpu.memory_space<hbm>>) dst(%arg12 : memref<128x128xf32, #tpu.memory_space<vmem>>)
        %sub3A = arith.constant 2 : i32
        %sub3A_154 = arith.subi %add3A_88, %sub3A : i32
        %mul3A_155 = arith.constant 128 : i32
        %mul3A_156 = arith.muli %sub3A_154, %mul3A_155 : i32
        %add3A_157 = arith.addi %mul3A_4, %mul3A_156 : i32
        %dma_start3A_158 = arith.constant 0 : i32
        %dma_start3A_159 = tpu.memref_slice %arg4[%add3A_157, %dma_start3A_158] : memref<1064960x128xf32, #tpu.memory_space<hbm>> -> memref<128x128xf32, #tpu.memory_space<hbm>>
        %dma_start3A_160 = arith.constant 0 : i32
        %dma_start3A_161 = tpu.memref_slice %arg4[%add3A_157, %dma_start3A_160] : memref<1064960x128xf32, #tpu.memory_space<hbm>> -> memref<128x128xf32, #tpu.memory_space<hbm>>
        tpu.enqueue_dma source(%arg12 : memref<128x128xf32, #tpu.memory_space<vmem>>) target(%dma_start3A_161 : memref<128x128xf32, #tpu.memory_space<hbm>>) target_semaphore(%arg24 : memref<!tpu.dma_semaphore, #tpu.memory_space<semaphore_mem>>)
        %add3A_162 = arith.constant 2 : i32
        %add3A_163 = arith.addi %add3A_88, %add3A_162 : i32
        %lt3A = arith.constant 260 : i32
        %lt3A_164 = arith.cmpi slt, %add3A_163, %lt3A : i32
        %convert_element_type3A_165 = arith.extui %lt3A_164 : i1 to i32
        %cond3A_166 = arith.constant 0 : i32
        %cond3A_167 = arith.cmpi ne, %convert_element_type3A_165, %cond3A_166 : i32
        scf.if %cond3A_167 {
          %add3A_168 = arith.constant 2 : i32
          %add3A_169 = arith.addi %add3A_88, %add3A_168 : i32
          %mul3A_170 = arith.constant 128 : i32
          %mul3A_171 = arith.muli %add3A_169, %mul3A_170 : i32
          %add3A_172 = arith.addi %mul3A_4, %mul3A_171 : i32
          %dma_start3A_173 = tpu.memref_slice %arg3[%add3A_172] : memref<1064960xi32, #tpu.memory_space<hbm>> -> memref<128xi32, #tpu.memory_space<hbm>>
          %dma_start3A_174 = tpu.memref_slice %arg3[%add3A_172] : memref<1064960xi32, #tpu.memory_space<hbm>> -> memref<128xi32, #tpu.memory_space<hbm>>
          tpu.enqueue_dma source(%dma_start3A_174 : memref<128xi32, #tpu.memory_space<hbm>>) target(%arg8 : memref<128xi32, #tpu.memory_space<vmem>>) target_semaphore(%arg16 : memref<!tpu.dma_semaphore, #tpu.memory_space<semaphore_mem>>)
        } else {
        }
      } else {
      }
      %mul3A_107 = arith.constant 4 : i32
      %mul3A_108 = arith.muli %mul3A_107, %scan3A_65 : i32
      %add3A_109 = arith.constant 2 : i32
      %add3A_110 = arith.addi %mul3A_108, %add3A_109 : i32
      %mul3A_111 = arith.constant 128 : i32
      %mul3A_112 = arith.muli %add3A_110, %mul3A_111 : i32
      %add3A_113 = arith.addi %mul3A_4, %mul3A_112 : i32
      %dma_wait3A_114 = tpu.memref_slice %arg3[%add3A_113] : memref<1064960xi32, #tpu.memory_space<hbm>> -> memref<128xi32, #tpu.memory_space<hbm>>
      %dma_wait3A_115 = tpu.memref_slice %arg3[%add3A_113] : memref<1064960xi32, #tpu.memory_space<hbm>> -> memref<128xi32, #tpu.memory_space<hbm>>
      tpu.wait_dma2 semaphore(%arg15 : memref<!tpu.dma_semaphore, #tpu.memory_space<semaphore_mem>>) src(%dma_wait3A_115 : memref<128xi32, #tpu.memory_space<hbm>>) dst(%arg7 : memref<128xi32, #tpu.memory_space<vmem>>)
      %ge3A_116 = arith.constant 4 : i32
      %ge3A_117 = arith.cmpi sge, %add3A_110, %ge3A_116 : i32
      %convert_element_type3A_118 = arith.extui %ge3A_117 : i1 to i32
      %cond3A_119 = arith.constant 0 : i32
      %cond3A_120 = arith.cmpi ne, %convert_element_type3A_118, %cond3A_119 : i32
      scf.if %cond3A_120 {
        %sub3A = arith.constant 4 : i32
        %sub3A_151 = arith.subi %add3A_110, %sub3A : i32
        %mul3A_152 = arith.constant 128 : i32
        %mul3A_153 = arith.muli %sub3A_151, %mul3A_152 : i32
        %add3A_154 = arith.addi %mul3A_4, %mul3A_153 : i32
        %dma_wait3A_155 = arith.constant 0 : i32
        %dma_wait3A_156 = tpu.memref_slice %arg4[%add3A_154, %dma_wait3A_155] : memref<1064960x128xf32, #tpu.memory_space<hbm>> -> memref<128x128xf32, #tpu.memory_space<hbm>>
        %dma_wait3A_157 = arith.constant 0 : i32
        %dma_wait3A_158 = tpu.memref_slice %arg4[%add3A_154, %dma_wait3A_157] : memref<1064960x128xf32, #tpu.memory_space<hbm>> -> memref<128x128xf32, #tpu.memory_space<hbm>>
        tpu.wait_dma2 semaphore(%arg23 : memref<!tpu.dma_semaphore, #tpu.memory_space<semaphore_mem>>) src(%arg11 : memref<128x128xf32, #tpu.memory_space<vmem>>) dst(%dma_wait3A_158 : memref<128x128xf32, #tpu.memory_space<hbm>>)
      } else {
      }
      %dma_start3A_121 = arith.constant 0 : i32
      %dma_start3A_122 = arith.constant 0 : i32
      %dma_start3A_123 = tpu.memref_slice %arg2[%dma_start3A_121, %dma_start3A_122] : memref<30720x128xf32, #tpu.memory_space<hbm>> -> memref<30720x128xf32, #tpu.memory_space<hbm>>
      tpu.enqueue_indirect_dma source(%dma_start3A_123 : memref<30720x128xf32, #tpu.memory_space<hbm>>) target(%arg11 : memref<128x128xf32, #tpu.memory_space<vmem>>) offsets(%arg7 : memref<128xi32, #tpu.memory_space<vmem>>) semaphore(%arg19 : memref<!tpu.dma_semaphore, #tpu.memory_space<semaphore_mem>>)
      %ge3A_124 = arith.constant 2 : i32
      %ge3A_125 = arith.cmpi sge, %add3A_110, %ge3A_124 : i32
      %convert_element_type3A_126 = arith.extui %ge3A_125 : i1 to i32
      %cond3A_127 = arith.constant 0 : i32
      %cond3A_128 = arith.cmpi ne, %convert_element_type3A_126, %cond3A_127 : i32
      scf.if %cond3A_128 {
        %dma_wait3A_151 = arith.constant 0 : i32
        %dma_wait3A_152 = arith.constant 0 : i32
        %dma_wait3A_153 = tpu.memref_slice %arg2[%dma_wait3A_151, %dma_wait3A_152] : memref<30720x128xf32, #tpu.memory_space<hbm>> -> memref<30720x128xf32, #tpu.memory_space<hbm>>
        tpu.wait_indirect_dma semaphore(%arg17 : memref<!tpu.dma_semaphore, #tpu.memory_space<semaphore_mem>>) src(%dma_wait3A_153 : memref<30720x128xf32, #tpu.memory_space<hbm>>) dst(%arg9 : memref<128x128xf32, #tpu.memory_space<vmem>>)
        %sub3A = arith.constant 2 : i32
        %sub3A_154 = arith.subi %add3A_110, %sub3A : i32
        %mul3A_155 = arith.constant 128 : i32
        %mul3A_156 = arith.muli %sub3A_154, %mul3A_155 : i32
        %add3A_157 = arith.addi %mul3A_4, %mul3A_156 : i32
        %dma_start3A_158 = arith.constant 0 : i32
        %dma_start3A_159 = tpu.memref_slice %arg4[%add3A_157, %dma_start3A_158] : memref<1064960x128xf32, #tpu.memory_space<hbm>> -> memref<128x128xf32, #tpu.memory_space<hbm>>
        %dma_start3A_160 = arith.constant 0 : i32
        %dma_start3A_161 = tpu.memref_slice %arg4[%add3A_157, %dma_start3A_160] : memref<1064960x128xf32, #tpu.memory_space<hbm>> -> memref<128x128xf32, #tpu.memory_space<hbm>>
        tpu.enqueue_dma source(%arg9 : memref<128x128xf32, #tpu.memory_space<vmem>>) target(%dma_start3A_161 : memref<128x128xf32, #tpu.memory_space<hbm>>) target_semaphore(%arg21 : memref<!tpu.dma_semaphore, #tpu.memory_space<semaphore_mem>>)
        %add3A_162 = arith.constant 2 : i32
        %add3A_163 = arith.addi %add3A_110, %add3A_162 : i32
        %lt3A = arith.constant 260 : i32
        %lt3A_164 = arith.cmpi slt, %add3A_163, %lt3A : i32
        %convert_element_type3A_165 = arith.extui %lt3A_164 : i1 to i32
        %cond3A_166 = arith.constant 0 : i32
        %cond3A_167 = arith.cmpi ne, %convert_element_type3A_165, %cond3A_166 : i32
        scf.if %cond3A_167 {
          %add3A_168 = arith.constant 2 : i32
          %add3A_169 = arith.addi %add3A_110, %add3A_168 : i32
          %mul3A_170 = arith.constant 128 : i32
          %mul3A_171 = arith.muli %add3A_169, %mul3A_170 : i32
          %add3A_172 = arith.addi %mul3A_4, %mul3A_171 : i32
          %dma_start3A_173 = tpu.memref_slice %arg3[%add3A_172] : memref<1064960xi32, #tpu.memory_space<hbm>> -> memref<128xi32, #tpu.memory_space<hbm>>
          %dma_start3A_174 = tpu.memref_slice %arg3[%add3A_172] : memref<1064960xi32, #tpu.memory_space<hbm>> -> memref<128xi32, #tpu.memory_space<hbm>>
          tpu.enqueue_dma source(%dma_start3A_174 : memref<128xi32, #tpu.memory_space<hbm>>) target(%arg5 : memref<128xi32, #tpu.memory_space<vmem>>) target_semaphore(%arg13 : memref<!tpu.dma_semaphore, #tpu.memory_space<semaphore_mem>>)
        } else {
        }
      } else {
      }
      %mul3A_129 = arith.constant 4 : i32
      %mul3A_130 = arith.muli %mul3A_129, %scan3A_65 : i32
      %add3A_131 = arith.constant 3 : i32
      %add3A_132 = arith.addi %mul3A_130, %add3A_131 : i32
      %mul3A_133 = arith.constant 128 : i32
      %mul3A_134 = arith.muli %add3A_132, %mul3A_133 : i32
      %add3A_135 = arith.addi %mul3A_4, %mul3A_134 : i32
      %dma_wait3A_136 = tpu.memref_slice %arg3[%add3A_135] : memref<1064960xi32, #tpu.memory_space<hbm>> -> memref<128xi32, #tpu.memory_space<hbm>>
      %dma_wait3A_137 = tpu.memref_slice %arg3[%add3A_135] : memref<1064960xi32, #tpu.memory_space<hbm>> -> memref<128xi32, #tpu.memory_space<hbm>>
      tpu.wait_dma2 semaphore(%arg16 : memref<!tpu.dma_semaphore, #tpu.memory_space<semaphore_mem>>) src(%dma_wait3A_137 : memref<128xi32, #tpu.memory_space<hbm>>) dst(%arg8 : memref<128xi32, #tpu.memory_space<vmem>>)
      %ge3A_138 = arith.constant 4 : i32
      %ge3A_139 = arith.cmpi sge, %add3A_132, %ge3A_138 : i32
      %convert_element_type3A_140 = arith.extui %ge3A_139 : i1 to i32
      %cond3A_141 = arith.constant 0 : i32
      %cond3A_142 = arith.cmpi ne, %convert_element_type3A_140, %cond3A_141 : i32
      scf.if %cond3A_142 {
        %sub3A = arith.constant 4 : i32
        %sub3A_151 = arith.subi %add3A_132, %sub3A : i32
        %mul3A_152 = arith.constant 128 : i32
        %mul3A_153 = arith.muli %sub3A_151, %mul3A_152 : i32
        %add3A_154 = arith.addi %mul3A_4, %mul3A_153 : i32
        %dma_wait3A_155 = arith.constant 0 : i32
        %dma_wait3A_156 = tpu.memref_slice %arg4[%add3A_154, %dma_wait3A_155] : memref<1064960x128xf32, #tpu.memory_space<hbm>> -> memref<128x128xf32, #tpu.memory_space<hbm>>
        %dma_wait3A_157 = arith.constant 0 : i32
        %dma_wait3A_158 = tpu.memref_slice %arg4[%add3A_154, %dma_wait3A_157] : memref<1064960x128xf32, #tpu.memory_space<hbm>> -> memref<128x128xf32, #tpu.memory_space<hbm>>
        tpu.wait_dma2 semaphore(%arg24 : memref<!tpu.dma_semaphore, #tpu.memory_space<semaphore_mem>>) src(%arg12 : memref<128x128xf32, #tpu.memory_space<vmem>>) dst(%dma_wait3A_158 : memref<128x128xf32, #tpu.memory_space<hbm>>)
      } else {
      }
      %dma_start3A_143 = arith.constant 0 : i32
      %dma_start3A_144 = arith.constant 0 : i32
      %dma_start3A_145 = tpu.memref_slice %arg2[%dma_start3A_143, %dma_start3A_144] : memref<30720x128xf32, #tpu.memory_space<hbm>> -> memref<30720x128xf32, #tpu.memory_space<hbm>>
      tpu.enqueue_indirect_dma source(%dma_start3A_145 : memref<30720x128xf32, #tpu.memory_space<hbm>>) target(%arg12 : memref<128x128xf32, #tpu.memory_space<vmem>>) offsets(%arg8 : memref<128xi32, #tpu.memory_space<vmem>>) semaphore(%arg20 : memref<!tpu.dma_semaphore, #tpu.memory_space<semaphore_mem>>)
      %ge3A_146 = arith.constant 2 : i32
      %ge3A_147 = arith.cmpi sge, %add3A_132, %ge3A_146 : i32
      %convert_element_type3A_148 = arith.extui %ge3A_147 : i1 to i32
      %cond3A_149 = arith.constant 0 : i32
      %cond3A_150 = arith.cmpi ne, %convert_element_type3A_148, %cond3A_149 : i32
      scf.if %cond3A_150 {
        %dma_wait3A_151 = arith.constant 0 : i32
        %dma_wait3A_152 = arith.constant 0 : i32
        %dma_wait3A_153 = tpu.memref_slice %arg2[%dma_wait3A_151, %dma_wait3A_152] : memref<30720x128xf32, #tpu.memory_space<hbm>> -> memref<30720x128xf32, #tpu.memory_space<hbm>>
        tpu.wait_indirect_dma semaphore(%arg18 : memref<!tpu.dma_semaphore, #tpu.memory_space<semaphore_mem>>) src(%dma_wait3A_153 : memref<30720x128xf32, #tpu.memory_space<hbm>>) dst(%arg10 : memref<128x128xf32, #tpu.memory_space<vmem>>)
        %sub3A = arith.constant 2 : i32
        %sub3A_154 = arith.subi %add3A_132, %sub3A : i32
        %mul3A_155 = arith.constant 128 : i32
        %mul3A_156 = arith.muli %sub3A_154, %mul3A_155 : i32
        %add3A_157 = arith.addi %mul3A_4, %mul3A_156 : i32
        %dma_start3A_158 = arith.constant 0 : i32
        %dma_start3A_159 = tpu.memref_slice %arg4[%add3A_157, %dma_start3A_158] : memref<1064960x128xf32, #tpu.memory_space<hbm>> -> memref<128x128xf32, #tpu.memory_space<hbm>>
        %dma_start3A_160 = arith.constant 0 : i32
        %dma_start3A_161 = tpu.memref_slice %arg4[%add3A_157, %dma_start3A_160] : memref<1064960x128xf32, #tpu.memory_space<hbm>> -> memref<128x128xf32, #tpu.memory_space<hbm>>
        tpu.enqueue_dma source(%arg10 : memref<128x128xf32, #tpu.memory_space<vmem>>) target(%dma_start3A_161 : memref<128x128xf32, #tpu.memory_space<hbm>>) target_semaphore(%arg22 : memref<!tpu.dma_semaphore, #tpu.memory_space<semaphore_mem>>)
        %add3A_162 = arith.constant 2 : i32
        %add3A_163 = arith.addi %add3A_132, %add3A_162 : i32
        %lt3A = arith.constant 260 : i32
        %lt3A_164 = arith.cmpi slt, %add3A_163, %lt3A : i32
        %convert_element_type3A_165 = arith.extui %lt3A_164 : i1 to i32
        %cond3A_166 = arith.constant 0 : i32
        %cond3A_167 = arith.cmpi ne, %convert_element_type3A_165, %cond3A_166 : i32
        scf.if %cond3A_167 {
          %add3A_168 = arith.constant 2 : i32
          %add3A_169 = arith.addi %add3A_132, %add3A_168 : i32
          %mul3A_170 = arith.constant 128 : i32
          %mul3A_171 = arith.muli %add3A_169, %mul3A_170 : i32
          %add3A_172 = arith.addi %mul3A_4, %mul3A_171 : i32
          %dma_start3A_173 = tpu.memref_slice %arg3[%add3A_172] : memref<1064960xi32, #tpu.memory_space<hbm>> -> memref<128xi32, #tpu.memory_space<hbm>>
          %dma_start3A_174 = tpu.memref_slice %arg3[%add3A_172] : memref<1064960xi32, #tpu.memory_space<hbm>> -> memref<128xi32, #tpu.memory_space<hbm>>
          tpu.enqueue_dma source(%dma_start3A_174 : memref<128xi32, #tpu.memory_space<hbm>>) target(%arg6 : memref<128xi32, #tpu.memory_space<vmem>>) target_semaphore(%arg14 : memref<!tpu.dma_semaphore, #tpu.memory_space<semaphore_mem>>)
        } else {
        }
      } else {
      }
    }
    %scan3A_23 = arith.constant 65 : i32
    %dma_wait3A = arith.constant 0 : i32
    %dma_wait3A_24 = arith.constant 0 : i32
    %dma_wait3A_25 = tpu.memref_slice %arg2[%dma_wait3A, %dma_wait3A_24] : memref<30720x128xf32, #tpu.memory_space<hbm>> -> memref<30720x128xf32, #tpu.memory_space<hbm>>
    tpu.wait_indirect_dma semaphore(%arg19 : memref<!tpu.dma_semaphore, #tpu.memory_space<semaphore_mem>>) src(%dma_wait3A_25 : memref<30720x128xf32, #tpu.memory_space<hbm>>) dst(%arg11 : memref<128x128xf32, #tpu.memory_space<vmem>>)
    %add3A_26 = arith.constant 33024 : i32
    %add3A_27 = arith.addi %mul3A_4, %add3A_26 : i32
    %dma_start3A_28 = arith.constant 0 : i32
    %dma_start3A_29 = tpu.memref_slice %arg4[%add3A_27, %dma_start3A_28] : memref<1064960x128xf32, #tpu.memory_space<hbm>> -> memref<128x128xf32, #tpu.memory_space<hbm>>
    %dma_start3A_30 = arith.constant 0 : i32
    %dma_start3A_31 = tpu.memref_slice %arg4[%add3A_27, %dma_start3A_30] : memref<1064960x128xf32, #tpu.memory_space<hbm>> -> memref<128x128xf32, #tpu.memory_space<hbm>>
    tpu.enqueue_dma source(%arg11 : memref<128x128xf32, #tpu.memory_space<vmem>>) target(%dma_start3A_31 : memref<128x128xf32, #tpu.memory_space<hbm>>) target_semaphore(%arg23 : memref<!tpu.dma_semaphore, #tpu.memory_space<semaphore_mem>>)
    %dma_wait3A_32 = arith.constant 0 : i32
    %dma_wait3A_33 = arith.constant 0 : i32
    %dma_wait3A_34 = tpu.memref_slice %arg2[%dma_wait3A_32, %dma_wait3A_33] : memref<30720x128xf32, #tpu.memory_space<hbm>> -> memref<30720x128xf32, #tpu.memory_space<hbm>>
    tpu.wait_indirect_dma semaphore(%arg20 : memref<!tpu.dma_semaphore, #tpu.memory_space<semaphore_mem>>) src(%dma_wait3A_34 : memref<30720x128xf32, #tpu.memory_space<hbm>>) dst(%arg12 : memref<128x128xf32, #tpu.memory_space<vmem>>)
    %add3A_35 = arith.constant 33152 : i32
    %add3A_36 = arith.addi %mul3A_4, %add3A_35 : i32
    %dma_start3A_37 = arith.constant 0 : i32
    %dma_start3A_38 = tpu.memref_slice %arg4[%add3A_36, %dma_start3A_37] : memref<1064960x128xf32, #tpu.memory_space<hbm>> -> memref<128x128xf32, #tpu.memory_space<hbm>>
    %dma_start3A_39 = arith.constant 0 : i32
    %dma_start3A_40 = tpu.memref_slice %arg4[%add3A_36, %dma_start3A_39] : memref<1064960x128xf32, #tpu.memory_space<hbm>> -> memref<128x128xf32, #tpu.memory_space<hbm>>
    tpu.enqueue_dma source(%arg12 : memref<128x128xf32, #tpu.memory_space<vmem>>) target(%dma_start3A_40 : memref<128x128xf32, #tpu.memory_space<hbm>>) target_semaphore(%arg24 : memref<!tpu.dma_semaphore, #tpu.memory_space<semaphore_mem>>)
    %add3A_41 = arith.constant 32768 : i32
    %add3A_42 = arith.addi %mul3A_4, %add3A_41 : i32
    %dma_wait3A_43 = arith.constant 0 : i32
    %dma_wait3A_44 = tpu.memref_slice %arg4[%add3A_42, %dma_wait3A_43] : memref<1064960x128xf32, #tpu.memory_space<hbm>> -> memref<128x128xf32, #tpu.memory_space<hbm>>
    %dma_wait3A_45 = arith.constant 0 : i32
    %dma_wait3A_46 = tpu.memref_slice %arg4[%add3A_42, %dma_wait3A_45] : memref<1064960x128xf32, #tpu.memory_space<hbm>> -> memref<128x128xf32, #tpu.memory_space<hbm>>
    tpu.wait_dma2 semaphore(%arg21 : memref<!tpu.dma_semaphore, #tpu.memory_space<semaphore_mem>>) src(%arg9 : memref<128x128xf32, #tpu.memory_space<vmem>>) dst(%dma_wait3A_46 : memref<128x128xf32, #tpu.memory_space<hbm>>)
    %add3A_47 = arith.constant 32896 : i32
    %add3A_48 = arith.addi %mul3A_4, %add3A_47 : i32
    %dma_wait3A_49 = arith.constant 0 : i32
    %dma_wait3A_50 = tpu.memref_slice %arg4[%add3A_48, %dma_wait3A_49] : memref<1064960x128xf32, #tpu.memory_space<hbm>> -> memref<128x128xf32, #tpu.memory_space<hbm>>
    %dma_wait3A_51 = arith.constant 0 : i32
    %dma_wait3A_52 = tpu.memref_slice %arg4[%add3A_48, %dma_wait3A_51] : memref<1064960x128xf32, #tpu.memory_space<hbm>> -> memref<128x128xf32, #tpu.memory_space<hbm>>
    tpu.wait_dma2 semaphore(%arg22 : memref<!tpu.dma_semaphore, #tpu.memory_space<semaphore_mem>>) src(%arg10 : memref<128x128xf32, #tpu.memory_space<vmem>>) dst(%dma_wait3A_52 : memref<128x128xf32, #tpu.memory_space<hbm>>)
    %add3A_53 = arith.constant 33024 : i32
    %add3A_54 = arith.addi %mul3A_4, %add3A_53 : i32
    %dma_wait3A_55 = arith.constant 0 : i32
    %dma_wait3A_56 = tpu.memref_slice %arg4[%add3A_54, %dma_wait3A_55] : memref<1064960x128xf32, #tpu.memory_space<hbm>> -> memref<128x128xf32, #tpu.memory_space<hbm>>
    %dma_wait3A_57 = arith.constant 0 : i32
    %dma_wait3A_58 = tpu.memref_slice %arg4[%add3A_54, %dma_wait3A_57] : memref<1064960x128xf32, #tpu.memory_space<hbm>> -> memref<128x128xf32, #tpu.memory_space<hbm>>
    tpu.wait_dma2 semaphore(%arg23 : memref<!tpu.dma_semaphore, #tpu.memory_space<semaphore_mem>>) src(%arg11 : memref<128x128xf32, #tpu.memory_space<vmem>>) dst(%dma_wait3A_58 : memref<128x128xf32, #tpu.memory_space<hbm>>)
    %add3A_59 = arith.constant 33152 : i32
    %add3A_60 = arith.addi %mul3A_4, %add3A_59 : i32
    %dma_wait3A_61 = arith.constant 0 : i32
    %dma_wait3A_62 = tpu.memref_slice %arg4[%add3A_60, %dma_wait3A_61] : memref<1064960x128xf32, #tpu.memory_space<hbm>> -> memref<128x128xf32, #tpu.memory_space<hbm>>
    %dma_wait3A_63 = arith.constant 0 : i32
    %dma_wait3A_64 = tpu.memref_slice %arg4[%add3A_60, %dma_wait3A_63] : memref<1064960x128xf32, #tpu.memory_space<hbm>> -> memref<128x128xf32, #tpu.memory_space<hbm>>
    tpu.wait_dma2 semaphore(%arg24 : memref<!tpu.dma_semaphore, #tpu.memory_space<semaphore_mem>>) src(%arg12 : memref<128x128xf32, #tpu.memory_space<vmem>>) dst(%dma_wait3A_64 : memref<128x128xf32, #tpu.memory_space<hbm>>)
    return
  }
}

</mosaic_0001>

<sc_bundles>
// kernel: _sc_gather.3.cloned.1.call-start
scs
__scs_entry_jumppad:
0x0: {  	(pc) =	sbr.rel $0x88, $3  }
0x1: {  	(tag) =	ssettag $0x0;
	lr =	simm.s32 $0x1  }
0x2: {  	[smem:$0x3F9F] =	sst lr;
	_ =	strace $0xD0000000  }
0x3: {  	_ = 	snop  }
0x4: {  	_ = 	snop  }
0x5: {  	_ = 	snop  }
0x6: {  	_ = 	snop  }
0x7: {  	_ = 	snop  }
__scs_overlays_trampoline_lowered:
0x8: {  	[smem:$0x3FAE] =	sst s0  }
0x9: {  	[smem:$0x3FAF] =	sst s1  }
0xa: {  	[smem:$0x3FB0] =	sst s2  }
0xb: {  	[smem:$0x3FB1] =	sst s3  }
0xc: {  	[smem:$0x3FB2] =	sst s4  }
0xd: {  	[smem:$0x3FB3] =	sst s5  }
0xe: {  	[smem:$0x3FB4] =	sst s6  }
0xf: {  	[smem:$0x3FB5] =	sst s7  }
0x10: {  	[smem:$0x3FB6] =	sst s8  }
0x11: {  	[smem:$0x3FB7] =	sst s9;
	s0 =	simm.s32 @!p0 $0x0  }
0x12: {  	s1 =	sld [smem:$0x3F9D];
	s0 =	simm.s32 @p0 $0x1  }
0x13: {  	[smem:$0x3FB8] =	sst s0;
	s0 =	simm.s32 @!p1 $0x0  }
0x14: {  	s2 =	sld [smem:$0x3F9C];
	s0 =	simm.s32 @p1 $0x1  }
0x15: {  	[smem:$0x3FB9] =	sst s0;
	s0 =	simm.s32 @!p2 $0x0  }
0x16: {  	s3 =	sld [smem:$0x3FDB];
	s0 =	simm.s32 @p2 $0x1  }
0x17: {  	s4 =	simm.s32 $0x1BF5;
	[smem:$0x3FBB] =	sst s0  }
0x18: {  	s0 =	sld [smem:$0x3F9E];
	_ =	swait.ge [sflag:s4], $0x0  }
0x19: {  	s7 =	sld [smem:$0x3F9F]  }
0x1a: {  	s8 =	sadd.s32 $0xFFFFE003, lr  }
0x1b: {  	s9 =	sadd.s32 $0xFFFFFEF7, lr;
	s5 =	simm.s32 $0xFFFFFFFF;
	p2 =	slt.u32 s8, $0xFFFFF086  }
0x1c: {  	p1 =	slt.u32 s9, $0xF7A;
	s5 =	simm.s32 @!p2 $0x0  }
0x1d: {  	s5 =	simm.s32 @p1 $0x1;
	p0 =	seq.s32 s7, s2  }
0x1e: {  	s7 =	smul.u32 @!p0 $0xF7A, s2;
	p2 =	seq.s32 @!p0 s5, $0x0  }
0x1f: {  	s9 =	smul.u32 $0xF7A, s1;
	s8 =	simm.s32 @!p0 $0x1BF5;
	p2 =	por !p2, p0  }
0x20: {  	[sflag:s8] =	ssyncset.s32 @!p0 $0xFFFFF086;
	s6 =	sadd.s32 @!p0 s3, s7;
	s7 =	simm.s32 @!p0 $0x108  }
0x21: {  	s3 =	sadd.s32 s3, s9;
	s6 =	sadd.s32 @!p0 $0x88, s6;
	s7 =	simm.s32 @p2 $0x1082  }
0x22: {  	[simem:s7], [sflag:s8] =	dma.local @!p0 [hbm:s6], $0xF7A  }
0x23: {  	s9 =	sor.u32 $0xD0000000, s2;
	s6 =	simm.s32 $0x108;
	_ =	swait.ge @!p0 [sflag:s8], $0x0  }
0x24: {  	s3 =	sadd.s32 $0x88, s3;
	s6 =	simm.s32 @!p1 $0x1082;
	[sflag:s4] =	ssyncset.s32 $0xFFFFF086  }
0x25: {  	[simem:s6], [sflag:s4] =	dma.local [hbm:s3], $0xF7A  }
0x26: {  	[smem:$0x3F9F] =	sst s1;
	(tag) =	ssettag s2;
	_ =	strace s9  }
0x27: {  	s1 =	sld [smem:$0x3FAF]  }
0x28: {  	s2 =	sld [smem:$0x3FB0]  }
0x29: {  	s4 =	sld [smem:$0x3FB2]  }
0x2a: {  	p0 =	seq.s32 s5, $0x0;
	s5 =	sld [smem:$0x3FB3]  }
0x2b: {  	s6 =	sld [smem:$0x3FB4]  }
0x2c: {  	s7 =	sld [smem:$0x3FB5]  }
0x2d: {  	s3 =	simm.s32 $0x108;
	s8 =	sld [smem:$0x3FB6]  }
0x2e: {  	s3 =	simm.s32 @!p0 $0x1082;
	s9 =	sld [smem:$0x3FB7]  }
0x2f: {  	lr =	sadd.s32 s0, s3;
	s0 =	sld [smem:$0x3FAE]  }
0x30: {  	s3 =	sld [smem:$0x3FB1]  }
0x31: {  	[smem:$0x3FBA] =	sst s10  }
0x32: {  	s10 =	sld [smem:$0x3FB8];
	_ =	sdelay $0x3  }
0x33: {  	p0 =	seq.s32 s10, $0x1;
	s10 =	sld [smem:$0x3FBA];
	_ =	sdelay $0x3  }
0x34: {  	[smem:$0x3FBA] =	sst s10  }
0x35: {  	s10 =	sld [smem:$0x3FB9];
	_ =	sdelay $0x3  }
0x36: {  	p1 =	seq.s32 s10, $0x1;
	s10 =	sld [smem:$0x3FBA];
	_ =	sdelay $0x3  }
0x37: {  	[smem:$0x3FBA] =	sst s10  }
0x38: {  	s10 =	sld [smem:$0x3FBB]  }
0x39: {  	_ = 	snop;
	(pc) =	sbr.ind lr, $3  }
0x3a: {  	_ = 	snop  }
0x3b: {  	_ = 	snop  }
0x3c: {  	p2 =	seq.s32 s10, $0x1;
	s10 =	sld [smem:$0x3FBA]  }
0x3d: {  	_ =	shalt  }
0x3e: {  	_ =	shalt  }
0x3f: {  	_ =	shalt  }
0x40: {  	_ =	shalt  }
0x41: {  	_ =	shalt  }
0x42: {  	_ =	shalt  }
0x43: {  	_ =	shalt  }
0x44: {  	_ =	shalt  }
0x45: {  	_ =	shalt  }
0x46: {  	_ =	shalt  }
0x47: {  	_ =	shalt  }
0x48: {  	_ =	shalt  }
0x49: {  	_ =	shalt  }
0x4a: {  	_ =	shalt  }
0x4b: {  	_ =	shalt  }
0x4c: {  	_ =	shalt  }
0x4d: {  	_ =	shalt  }
0x4e: {  	_ =	shalt  }
0x4f: {  	_ =	shalt  }
0x50: {  	_ =	shalt  }
0x51: {  	_ =	shalt  }
0x52: {  	_ =	shalt  }
0x53: {  	_ =	shalt  }
0x54: {  	_ =	shalt  }
0x55: {  	_ =	shalt  }
0x56: {  	_ =	shalt  }
0x57: {  	_ =	shalt  }
0x58: {  	_ =	shalt  }
0x59: {  	_ =	shalt  }
0x5a: {  	_ =	shalt  }
0x5b: {  	_ =	shalt  }
0x5c: {  	_ =	shalt  }
0x5d: {  	_ =	shalt  }
0x5e: {  	_ =	shalt  }
0x5f: {  	_ =	shalt  }
0x60: {  	_ =	shalt  }
0x61: {  	_ =	shalt  }
0x62: {  	_ =	shalt  }
0x63: {  	_ =	shalt  }
0x64: {  	_ =	shalt  }
0x65: {  	_ =	shalt  }
0x66: {  	_ =	shalt  }
0x67: {  	_ =	shalt  }
0x68: {  	_ =	shalt  }
0x69: {  	_ =	shalt  }
0x6a: {  	_ =	shalt  }
0x6b: {  	_ =	shalt  }
0x6c: {  	_ =	shalt  }
0x6d: {  	_ =	shalt  }
0x6e: {  	_ =	shalt  }
0x6f: {  	_ =	shalt  }
0x70: {  	_ =	shalt  }
0x71: {  	_ =	shalt  }
0x72: {  	_ =	shalt  }
0x73: {  	_ =	shalt  }
0x74: {  	_ =	shalt  }
0x75: {  	_ =	shalt  }
0x76: {  	_ =	shalt  }
0x77: {  	_ =	shalt  }
0x78: {  	_ =	shalt  }
0x79: {  	_ =	shalt  }
0x7a: {  	_ =	shalt  }
0x7b: {  	_ =	shalt  }
0x7c: {  	_ =	shalt  }
0x7d: {  	_ =	shalt  }
0x7e: {  	_ =	shalt  }
0x7f: {  	_ =	shalt  }
0x80: {  	_ =	shalt  }
0x81: {  	_ =	shalt  }
0x82: {  	_ =	shalt  }
0x83: {  	_ =	shalt  }
0x84: {  	_ =	shalt  }
0x85: {  	_ =	shalt  }
0x86: {  	_ =	shalt  }
0x87: {  	_ =	shalt  }
.Lfunc_end0:
.L_simem_size_0:
called_computation_lowered:
.L_overlay_start_0:
0x88: {  	s2 =	sld [smem:$0x3FD9]  }
0x89: {  	s3 =	sld [smem:$0x3FFE];
	_ =	sdelay $0x1  }
0x8a: {  	s1 =	srdreg.scid  }
0x8b: {  	s0 =	sand.u32 $0x1, s1  }
0x8c: {  	s18 =	sshll.u32 s0, $0xA;
	s2 =	sadd.s32 s3, s2  }
0x8d: {  	s2 =	sadd.s32 s2, s18  }
0x8e: {  	[smem:$0x3FC6] =	sst s2  }
0x8f: {  	_ = 	snop  }
0x90: {  	s2 =	sld [smem:$0x3FC9]  }
0x91: {  	s19 =	sld [smem:$0x3FC8]  }
0x92: {  	s4 =	sld [smem:$0x3FD0];
	(tm) =	ssettm $0x1  }
0x93: {  	s5 =	sld [smem:$0x3FFB];
	_ =	sdelay $0x3  }
0x94: {  	_ =	strace s5  }
0x95: {  	s5 =	sld [smem:$0x3FFC];
	_ =	sdelay $0x3  }
0x96: {  	_ =	strace s5  }
0x97: {  	s5 =	sld [smem:$0x3FFD];
	_ =	sdelay $0x3  }
0x98: {  	_ =	strace s5  }
0x99: {  	_ =	strace $0x8FFFFFFF  }
0x9a: {  	s20 =	sld [smem:$0x3FDB];
	_ =	sdelay $0x1  }
0x9b: {  	s6 =	simm.s32 $_scs_section_size  }
0x9c: {  	s7 =	simm.s32 $_size__tile_overlayer_lowered;
	s8 =	simm.s32 $_tile_overlayer_lowered  }
0x9d: {  	s23 =	simm.s32 $0x1BFF;
	s22 =	sshll.u32 s8, $0x1;
	s5 =	sadd.s32 s6, s20  }
0x9e: {  	s9 =	simm.s32 $0x0;
	s21 =	sshll.u32 s7, $0x1;
	s7 =	sadd.s32 s22, s5  }
0x9f: {  	[timem:s9], [sflag:s23] =	dma.local [hbm:s7], s21  }
0xa0: {  	_ =	swait.ge [sflag:s23], s21  }
0xa1: {  	s6 =	ssub.s32 $0x0, s21;
	[sflag:s23] =	ssyncset.done $0x0  }
0xa2: {  	[sflag:s23] =	ssyncadd.s32 s6;
	_ =	sdelay $0x1  }
0xa3: {  	s24 =	simm.s32 $0x1B8B  }
0xa4: {  	_ =	swait.ge [sflag:s24], $0x1  }
0xa5: {  	[sflag:s24] =	ssyncset.done $0x0  }
0xa6: {  	s25 =	simm.s32 $0x1B8E;
	[sflag:s24] =	ssyncadd.s32 $0xFFFFFFFF  }
0xa7: {  	s26 =	simm.s32 $execute0_lowered;
	[smem:$0x3FD2] =	sst s25  }
0xa8: {  	s6 =	sshll.u32 s26, $0x1;
	_ =	strace $0x80000046;
	[dreg:$0x1] =	wrdreg $0xFFFFFFFF  }
0xa9: {  	s28 =	simm.s32 $_size_execute0_lowered;
	s5 =	sadd.s32 s5, s6;
	[dreg:$0x0] =	wrdreg $0x0  }
0xaa: {  	s6 =	sshll.u32 s28, $0x1;
	[dreg:$0x2] =	wrdreg s5  }
0xab: {  	[dreg:$0x3] =	wrdreg s6  }
0xac: {  	[dreg:$0x4] =	wrdreg $0xC0  }
0xad: {  	_ =	task [dreg:s9], $0x5FFFF  }
0xae: {  	[dreg:$0x1] =	wrdreg $0xFFFFFFFF  }
0xaf: {  	[dreg:$0x0] =	wrdreg $0x60  }
0xb0: {  	[dreg:$0x2] =	wrdreg s2  }
0xb1: {  	[dreg:$0x3] =	wrdreg s19  }
0xb2: {  	[dreg:$0x4] =	wrdreg s4  }
0xb3: {  	[dreg:$0x5] =	wrdreg $0x9  }
0xb4: {  	_ =	task.clear_ibuf [dreg:s9], $0x6FFFF;
	_ =	strace $0x90000046  }
0xb5: {  	s29 =	simm.s32 $0x9;
	_ =	strace $0x80000048  }
0xb6: {  	_ =	swait.ge [sflag:s29], $0x1  }
0xb7: {  	[sflag:s29] =	ssyncadd.s32 $0xFFFFFFFF  }
0xb8: {  	_ =	strace $0x90000048  }
0xb9: {  	_ =	sfence  }
0xba: {  	s30 =	sld [smem:$0x0];
	_ =	sdelay $0x2  }
0xbb: {  	s31 =	sshll.u32 s1, $0xD;
	s1 =	sshrl.u32 s1, $0x2  }
0xbc: {  	s3 =	sand.u32 $0x4000, s31;
	s1 =	sadd.s32 s1, s30  }
0xbd: {  	s0 =	sor.u32 s3, s0;
	s1 =	sshll.u32 s1, $0x11  }
0xbe: {  	s0 =	sor.u32 s1, s0  }
0xbf: {  	s0 =	sadd.s32 $0x8F2B, s0  }
0xc0: {  	[sflag:s0] =	ssyncadd.remote.s32 $0x1  }
0xc1: {  	_ =	sfence.sel $0xFFFF  }
0xc2: {  	[dreg:$0x0] =	wrdreg $0xFFFFFFFF;
	(pc) =	sbr.abs _section_cstart, $3  }
0xc3: {  	[dreg:$0x1] =	wrdreg $0xFFFFFFFF  }
0xc4: {  	_ =	task.clear_ibuf [dreg:s9], $0x2FFFF;
	_ =	strace $0x9FFFFFFF  }
0xc5: {  	(tm) =	ssettm $0x7FFFFFFF  }
tec
execute0_lowered:
.L_overlay_start_1:
0x0: {  	(tag) =	ssettag $0x1  }
0x1: {  	s1 =	rddreg [dreg:$0x0]  }
0x2: {  	s3 =	rddreg [dreg:$0x1]  }
0x3: {  	s0 =	srdreg.scid;
	s11 =	stileid.u32  }
0x4: {  	s2 =	rddreg [dreg:$0x2];
	s8 =	smul.u32 $0x820000, s11  }
0x5: {  	s4 =	simm.s32 $0x0;
	s28 =	simm.s32 $0xC;
	s13 =	smul.u32 $0x10400, s11  }
0x6: {  	s29 =	simm.s32 $0xC200;
	s0 =	sand.u32 $0x1, s0;
	s24 =	smul.u32 $0x104000, s11  }
0x7: {  	s30 =	simm.s32 $0x6;
	s5 =	sshll.u32 s11, $0x1;
	s15 =	smul.u32 $0x8200, s0  }
0x8: {  	s31 =	simm.s32 $0x4200;
	s5 =	sor.u32 s0, s5;
	s16 =	smul.u32 $0x410000, s0  }
0x9: {  	[smem:$0x7FF] =	sst s4;
	s7 =	ssub.s32 $0x2, s0;
	s6 =	smul.u32 $0x8200, s5  }
0xa: {  	_ =	strace $0x80000047;
	s5 =	smul.u32 $0x410000, s5;
	s9 =	sshrl.u32 s7, $0x1  }
0xb: {  	s0 =	smul.u32 $0x82000, s0;
	s7 =	ssub.s32 s7, s9;
	s8 =	sadd.s32 s16, s8  }
0xc: {  	s9 =	simm.s32 $0x0;
	s6 =	sshrl.u32 s6, $0x3;
	s5 =	sshrl.u32 s5, $0x3  }
0xd: {  	s19 =	sshrl.u32 s8, $0x3;
	s7 =	smax.u32 s7, $0x1;
	s8 =	simm.s32 $0xB  }
0xe: {  	s12 =	sadd.s32 s3, s6;
	s5 =	sadd.s32 s2, s5;
	[dreg:$0xa] =	wrdreg s7  }
0xf: {  	s6 =	sadd.s32 s15, s13;
	s14 =	sadd.s32 $0x10, s12;
	[dreg:$0x4] =	wrdreg s12  }
0x10: {  	s10 =	sadd.s32 $0x20, s12;
	s12 =	sadd.s32 $0x30, s12;
	[dreg:$0x5] =	wrdreg s14  }
0x11: {  	s17 =	sadd.s32 $0x81000, s5;
	s18 =	sadd.s32 $0x280, s6;
	[dreg:$0x6] =	wrdreg s10  }
0x12: {  	s5 =	sadd.s32 $0x81800, s5;
	s22 =	sadd.s32 $0x200, s6;
	[dreg:$0x7] =	wrdreg s12  }
0x13: {  	s23 =	sor.u32 $0x180, s6;
	s6 =	sor.u32 $0x100, s6;
	[dreg:$0x8] =	wrdreg s17  }
0x14: {  	[dreg:$0x9] =	wrdreg s5;
	s20 =	sshrl.u32 s18, $0x3;
	s12 =	sadd.s32 s19, s2  }
0x15: {  	[dreg:$0xc] =	wrdreg s22;
	s5 =	sshrl.u32 s23, $0x3;
	s2 =	sadd.s32 s24, s2  }
0x16: {  	s25 =	sshrl.u32 s6, $0x3;
	s18 =	simm.s32 $0x80;
	s19 =	simm.s32 $0x100  }
.Ltmp0:
0x17: {  	s22 =	simm.s32 $0x2;
	s23 =	simm.s32 $0x8200;
	(pc) =	sbr.rel .LBB2_1-.Ltmp0, $4  }
0x18: {  	s24 =	simm.s32 $0x5;
	s21 =	sadd.s32 s20, s3;
	s5 =	sadd.s32 s5, s3  }
0x19: {  	s16 =	sadd.s32 s0, s2;
	s26 =	sadd.s32 s25, s3;
	[dreg:$0xb] =	wrdreg s21  }
0x1a: {  	s20 =	simm.s32 $0x180;
	s25 =	simm.s32 $0x200;
	[dreg:$0xd] =	wrdreg s5  }
0x1b: {  	[dreg:$0xe] =	wrdreg s26;
	s21 =	simm.s32 $0x1;
	s26 =	simm.s32 $0x4  }
.LBB2_8:
0x1c: {  	s0 =	simm.s32 $0x7  }
0x1d: {  	_ =	swait.ge [sflag:s0], $0x4000  }
0x1e: {  	[sflag:s0] =	ssyncset.done $0x0  }
0x1f: {  	s11 =	simm.s32 $0x8;
	s10 =	rddreg [dreg:$0x8];
	[sflag:s0] =	ssyncadd.s32 $0xFFFFC000  }
0x20: {  	[hbm4b:s10+s4] =	stream.linear.scatter [tilespmem:s23], [sflag:$0xB], $0x4000, $0x38;
	[tilespmem:$0x10200] =	vst v63  }
0x21: {  	_ =	swait.ge [sflag:s11], $0x4000  }
0x22: {  	[sflag:s11] =	ssyncset.done $0x0  }
0x23: {  	s14 =	simm.s32 $0x9;
	s13 =	rddreg [dreg:$0x9];
	[sflag:s11] =	ssyncadd.s32 $0xFFFFC000  }
0x24: {  	[hbm4b:s13+s4] =	stream.linear.scatter [tilespmem:s29], [sflag:$0xC], $0x4000, $0x38;
	[tilespmem:$0x10200] =	vst v63  }
0x25: {  	_ =	swait.ge [sflag:s14], $0x4000  }
0x26: {  	[sflag:s14] =	ssyncset.done $0x0  }
0x27: {  	s15 =	simm.s32 $0xA;
	[sflag:s14] =	ssyncadd.s32 $0xFFFFC000  }
0x28: {  	_ =	swait.ge [sflag:s15], $0x4000  }
0x29: {  	[sflag:s15] =	ssyncset.done $0x0  }
0x2a: {  	[sflag:s15] =	ssyncadd.s32 $0xFFFFC000  }
0x2b: {  	_ =	swait.ge [sflag:s8], $0x4000  }
0x2c: {  	[sflag:s8] =	ssyncset.done $0x0  }
0x2d: {  	[sflag:s8] =	ssyncadd.s32 $0xFFFFC000  }
0x2e: {  	_ =	swait.ge [sflag:s28], $0x4000  }
0x2f: {  	s9 =	sadd.s32 $0x1, s9;
	s17 =	rddreg [dreg:$0xa]  }
0x30: {  	p0 =	sne.s32 s9, s17  }
.Ltmp1:
0x31: {  	_ = 	snop;
	(pc) =	sbr.rel @!p0 .LBB2_9-.Ltmp1, $3  }
0x32: {  	_ =	sdelay $0x1  }
0x33: {  	[sflag:s28] =	ssyncset.done $0x0  }
0x34: {  	[sflag:s28] =	ssyncadd.s32 $0xFFFFC000  }
.LBB2_1:
0x35: {  	s0 =	rddreg [dreg:$0x4]  }
0x36: {  	s14 =	rddreg [dreg:$0x5]  }
0x37: {  	s15 =	rddreg [dreg:$0x6]  }
0x38: {  	s17 =	rddreg [dreg:$0x7]  }
0x39: {  	[tilespmem:s4], [sflag:$0x1] =	stream.linear.gather [hbm4b:s0+s4], $0x80, $0x38;
	[tilespmem:$0x10200] =	vst v63  }
0x3a: {  	s13 =	rddreg [dreg:$0xb]  }
0x3b: {  	[tilespmem:s18], [sflag:$0x2] =	stream.linear.gather [hbm4b:s14+s4], $0x80, $0x38;
	[tilespmem:$0x10200] =	vst v63  }
0x3c: {  	s14 =	rddreg [dreg:$0xc]  }
0x3d: {  	[tilespmem:s19], [sflag:$0x3] =	stream.linear.gather [hbm4b:s15+s4], $0x80, $0x38;
	[tilespmem:$0x10200] =	vst v63  }
0x3e: {  	s15 =	rddreg [dreg:$0xd]  }
0x3f: {  	[tilespmem:s20], [sflag:$0x4] =	stream.linear.gather [hbm4b:s17+s4], $0x80, $0x38;
	[tilespmem:$0x10200] =	vst v63  }
0x40: {  	s5 =	simm.s32 $0x0;
	s17 =	rddreg [dreg:$0xe]  }
.LBB2_2:
0x41: {  	_ =	swait.ge [sflag:s21], $0x80  }
0x42: {  	p0 =	sne.s32 s5, $0x0;
	[sflag:s21] =	ssyncset.done $0x0  }
0x43: {  	s11 =	simm.s32 @p0 $0x9;
	[sflag:s21] =	ssyncadd.s32 $0xFFFFFF80  }
0x44: {  	_ =	swait.ge @p0 [sflag:s11], $0x4000  }
0x45: {  	s10 =	simm.s32 @p0 $0x0;
	[sflag:s11] =	ssyncset.done @p0 $0x0  }
0x46: {  	s2 =	simm.s32 @p0 $0x200;
	[sflag:s11] =	ssyncadd.s32 @p0 $0xFFFFC000;
	s11 =	simm.s32 @p0 $0x80  }
0x47: {  	[tilespmem:s2], [sflag:$0x5] =	stream.indirect.gather @p0 [hbm4b:s1+s11], $0x80, s10, s11, $0xb8;
	[tilespmem:$0x10200] =	vst v63  }
0x48: {  	s2 =	simm.s32 @p0 $0x7  }
0x49: {  	_ =	swait.ge @p0 [sflag:s2], $0x4000  }
0x4a: {  	s0 =	sadd.s32 @p0 s5, s16;
	[sflag:s2] =	ssyncset.done @p0 $0x0  }
0x4b: {  	s6 =	simm.s32 @p0 $0x8200;
	[sflag:s2] =	ssyncadd.s32 @p0 $0xFFFFC000;
	s2 =	sadd.s32 @p0 $0xFFFFF000, s0  }
0x4c: {  	[hbm4b:s2+s10] =	stream.linear.scatter @p0 [tilespmem:s6], [sflag:$0xB], $0x4000, $0x38;
	[tilespmem:$0x10200] =	vst v63  }
0x4d: {  	s2 =	simm.s32 @p0 $0x100  }
0x4e: {  	[tilespmem:s2], [sflag:$0x3] =	stream.linear.gather @p0 [hbm4b:s17+s10], $0x80, $0x38;
	[tilespmem:$0x10200] =	vst v63  }
0x4f: {  	s7 =	simm.s32 @!p0 $0x200;
	s6 =	simm.s32 @!p0 $0x0;
	s2 =	simm.s32 @!p0 $0x80  }
0x50: {  	[tilespmem:s7], [sflag:$0x5] =	stream.indirect.gather @!p0 [hbm4b:s1+s2], $0x80, s6, s2, $0xb8;
	[tilespmem:$0x10200] =	vst v63  }
0x51: {  	_ =	swait.ge [sflag:s22], $0x80  }
0x52: {  	[sflag:s22] =	ssyncset.done $0x0  }
0x53: {  	s6 =	simm.s32 @p0 $0xA;
	[sflag:s22] =	ssyncadd.s32 $0xFFFFFF80  }
0x54: {  	_ =	swait.ge @p0 [sflag:s6], $0x4000  }
0x55: {  	[sflag:s6] =	ssyncset.done @p0 $0x0  }
0x56: {  	[sflag:s6] =	ssyncadd.s32 @p0 $0xFFFFC000;
	s6 =	simm.s32 @p0 $0x4200  }
0x57: {  	[tilespmem:s6], [sflag:$0x6] =	stream.indirect.gather @p0 [hbm4b:s1+s11], $0x80, s11, s11, $0xb8;
	[tilespmem:$0x10200] =	vst v63  }
0x58: {  	s6 =	simm.s32 @p0 $0x8  }
0x59: {  	_ =	swait.ge @p0 [sflag:s6], $0x4000  }
0x5a: {  	[sflag:s6] =	ssyncset.done @p0 $0x0  }
0x5b: {  	s0 =	sadd.s32 @p0 $0xFFFFF800, s0;
	[sflag:s6] =	ssyncadd.s32 @p0 $0xFFFFC000;
	s6 =	simm.s32 @p0 $0xC200  }
0x5c: {  	[hbm4b:s0+s10] =	stream.linear.scatter @p0 [tilespmem:s6], [sflag:$0xC], $0x4000, $0x38;
	[tilespmem:$0x10200] =	vst v63  }
0x5d: {  	s0 =	simm.s32 @p0 $0x180  }
0x5e: {  	[tilespmem:s0], [sflag:$0x4] =	stream.linear.gather @p0 [hbm4b:s15+s10], $0x80, $0x38;
	[tilespmem:$0x10200] =	vst v63  }
0x5f: {  	s0 =	simm.s32 @p0 $0x3  }
0x60: {  	_ =	swait.ge @p0 [sflag:s0], $0x80  }
0x61: {  	[sflag:s0] =	ssyncset.done @p0 $0x0  }
0x62: {  	[sflag:s0] =	ssyncadd.s32 @p0 $0xFFFFFF80;
	s0 =	simm.s32 @p0 $0xB  }
0x63: {  	_ =	swait.ge @p0 [sflag:s0], $0x4000  }
0x64: {  	[sflag:s0] =	ssyncset.done @p0 $0x0  }
0x65: {  	[sflag:s0] =	ssyncadd.s32 @p0 $0xFFFFC000;
	s0 =	simm.s32 @!p0 $0x4200  }
0x66: {  	[tilespmem:s0], [sflag:$0x6] =	stream.indirect.gather @!p0 [hbm4b:s1+s2], $0x80, s2, s2, $0xb8;
	[tilespmem:$0x10200] =	vst v63  }
0x67: {  	s0 =	simm.s32 @!p0 $0x3  }
0x68: {  	_ =	swait.ge @!p0 [sflag:s0], $0x80  }
0x69: {  	[sflag:s0] =	ssyncset.done @!p0 $0x0  }
0x6a: {  	[sflag:s0] =	ssyncadd.s32 @!p0 $0xFFFFFF80;
	p0 =	sne.s32 s5, $0x80000  }
0x6b: {  	[tilespmem:s23], [sflag:$0x7] =	stream.indirect.gather [hbm4b:s1+s18], $0x80, s19, s18, $0xb8;
	[tilespmem:$0x10200] =	vst v63  }
.Ltmp2:
0x6c: {  	_ = 	snop;
	(pc) =	sbr.rel @p0 .LBB2_4-.Ltmp2, $4  }
0x6d: {  	_ =	swait.ge [sflag:s24], $0x4000  }
0x6e: {  	[sflag:s24] =	ssyncset.done $0x0  }
0x6f: {  	s11 =	sadd.s32 s5, s12;
	[sflag:s24] =	ssyncadd.s32 $0xFFFFC000  }
0x70: {  	[hbm4b:s11+s4] =	stream.linear.scatter [tilespmem:s25], [sflag:$0x9], $0x4000, $0x38;
	[tilespmem:$0x10200] =	vst v63  }
.Ltmp3:
0x71: {  	(pc) =	sbr.rel .LBB2_5-.Ltmp3, $4  }
0x72: {  	_ = 	snop  }
0x73: {  	_ =	swait.ge [sflag:s26], $0x80  }
0x74: {  	[sflag:s26] =	ssyncset.done $0x0  }
0x75: {  	[sflag:s26] =	ssyncadd.s32 $0xFFFFFF80  }
.LBB2_4:
0x76: {  	s0 =	sshrl.u32 s14, $0x3;
	p0 =	seq.s32 s5, $0x0  }
.Ltmp4:
0x77: {  	s0 =	sadd.s32 s3, s0;
	(pc) =	sbr.rel @p0 .LBB2_6-.Ltmp4, $4  }
0x78: {  	[tilespmem:s4], [sflag:$0x1] =	stream.linear.gather [hbm4b:s0+s4], $0x80, $0x38;
	[tilespmem:$0x10200] =	vst v63  }
0x79: {  	_ =	swait.ge [sflag:s26], $0x80  }
0x7a: {  	[sflag:s26] =	ssyncset.done $0x0  }
0x7b: {  	[sflag:s26] =	ssyncadd.s32 $0xFFFFFF80  }
.LBB2_5:
0x7c: {  	_ =	swait.ge [sflag:s28], $0x4000  }
0x7d: {  	[sflag:s28] =	ssyncset.done $0x0  }
0x7e: {  	[sflag:s28] =	ssyncadd.s32 $0xFFFFC000  }
.LBB2_6:
0x7f: {  	[tilespmem:s29], [sflag:$0x8] =	stream.indirect.gather [hbm4b:s1+s18], $0x80, s20, s18, $0xb8;
	[tilespmem:$0x10200] =	vst v63  }
0x80: {  	p0 =	seq.s32 s5, $0x80000  }
.Ltmp5:
0x81: {  	_ = 	snop;
	(pc) =	sbr.rel @p0 .LBB2_8-.Ltmp5, $4  }
0x82: {  	_ =	swait.ge [sflag:s30], $0x4000  }
0x83: {  	s0 =	sadd.s32 s5, s16;
	[sflag:s30] =	ssyncset.done $0x0  }
0x84: {  	s0 =	sadd.s32 $0x800, s0;
	[sflag:s30] =	ssyncadd.s32 $0xFFFFC000  }
0x85: {  	[hbm4b:s0+s4] =	stream.linear.scatter [tilespmem:s31], [sflag:$0xA], $0x4000, $0x38;
	[tilespmem:$0x10200] =	vst v63  }
.Ltmp6:
0x86: {  	(pc) =	sbr.rel .LBB2_2-.Ltmp6, $4  }
0x87: {  	_ = 	snop  }
0x88: {  	[tilespmem:s18], [sflag:$0x2] =	stream.linear.gather [hbm4b:s13+s4], $0x80, $0x38;
	[tilespmem:$0x10200] =	vst v63  }
0x89: {  	s5 =	sadd.s32 $0x2000, s5;
	s13 =	sadd.s32 $0x40, s13  }
0x8a: {  	s14 =	sadd.s32 $0x200, s14;
	s15 =	sadd.s32 $0x40, s15;
	s17 =	sadd.s32 $0x40, s17  }
.LBB2_9:
0x8b: {  	_ =	sfence.sel $0x180000  }
0x8c: {  	[bflag:$0x0] =	sbarrier.arrive $0xFFFF  }
0x8d: {  	_ =	strace $0x90000047  }
0x8e: {  	s0 =	stileid.u32;
	[bflag:$0x2] =	sbarrier.arrive $0xFFFF  }
0x8f: {  	p0 =	sne.s32 s0, $0x0;
	s0 =	rddreg [dreg:$0x3]  }
0x90: {  	s0 =	sadd.s32 @!p0 $0x100000, s0  }
0x91: {  	[sflag:s0] =	ssyncadd.tile.s32 @!p0 $0x1;
	_ =	shalt  }
.Lfunc_end2:
_tile_overlayer_lowered:
.L_overlay_start_2:
0x92: {  	(tag) =	ssettag $0x2  }
0x93: {  	s0 =	rddreg [dreg:$0x0];
	s2 =	stileid.u32  }
0x94: {  	s1 =	rddreg [dreg:$0x1];
	p0 =	sne.s32 s2, $0x0  }
0x95: {  	s3 =	rddreg [dreg:$0x2];
	[bflag:$0x3] =	sbarrier.arrive $0xFFFF;
	s2 =	simm.s32 @!p0 $0x1C0D  }
0x96: {  	[timem:s3], [sflag:s2] =	dma.local @!p0 [hbm:s0], s1  }
0x97: {  	s0 =	simm.s32 @!p0 $0xD  }
0x98: {  	_ =	swait.ge @!p0 [sflag:s0], s1  }
0x99: {  	s1 =	ssub.s32 @!p0 $0x0, s1;
	[sflag:s0] =	ssyncset.done @!p0 $0x0  }
0x9a: {  	[sflag:s0] =	ssyncadd.s32 @!p0 s1  }
0x9b: {  	[bflag:$0x3] =	sbarrier.arrive $0xFFFF  }
0x9c: {  	_ =	shalt  }

</sc_bundles>
